<compile_context>
chip_gen: v7x
topology: tpu7x:2x2x1
jax: 0.10.2.dev20260603
libtpu: 0.0.44.dev20260713+nightly
codegen_flags: <defaults>
</compile_context>

<pallas_src>
import jax
import jax.numpy as jnp
from jax.experimental import pallas as pl
from jax.experimental.pallas import tpu as pltpu

_B = 32
_TS = 128
_G = 128
_M = 16
_T = _TS * _G * _M


def _pulse_body(xn_ref, on_ref, yn_ref, xs_ref, os_ref, o2_ref, st_ref,
                exclt_ref, e2_ref, wc_ref):
    m = pl.program_id(0)

    @pl.when(m == 0)
    def _init():
        e2_ref[...] = jnp.zeros_like(e2_ref)
        wc_ref[...] = jnp.zeros_like(wc_ref)

    xs_ref[...] = jnp.swapaxes(xn_ref[...], 1, 2)
    os_ref[...] = jnp.swapaxes(on_ref[...], 1, 2)

    def p1(i, run):
        return run + xs_ref[:, i, :]

    s = jax.lax.fori_loop(0, _TS, p1, jnp.zeros((_B, _G), jnp.float32),
                          unroll=8)

    st_ref[...] = jnp.swapaxes(s, 0, 1)
    e2 = e2_ref[0:1, :]

    def lvl2(n, run2):
        exclt_ref[pl.ds(n, 1), :] = run2 + e2
        return run2 + st_ref[pl.ds(n, 1), :]

    s2 = jax.lax.fori_loop(0, _G, lvl2, jnp.zeros((1, _B), jnp.float32),
                           unroll=8)
    e2_ref[0:1, :] = e2 + s2

    excl = jnp.swapaxes(exclt_ref[...], 0, 1)

    i127 = (s + excl) + os_ref[:, _TS - 1, :]
    w127 = i127 - jnp.floor(i127)
    wprev0 = jnp.concatenate([wc_ref[:, 0:1], w127[:, :-1]], axis=1)
    wc_ref[:, 0:1] = w127[:, _G - 1:_G]

    def p2(i, carry):
        run, wprev = carry
        x = xs_ref[:, i, :]
        run = run + x
        inst = run + excl + os_ref[:, i, :]
        w = inst - jnp.floor(inst)
        tr = (w - wprev) < 0
        val = jax.lax.rsqrt(jnp.where(tr, x, 1.0))
        o2_ref[:, i, :] = jnp.where(tr, val, 0.0)
        return run, w

    jax.lax.fori_loop(
        0, _TS, p2,
        (jnp.zeros((_B, _G), jnp.float32), wprev0), unroll=8)

    yn_ref[...] = jnp.swapaxes(o2_ref[...], 1, 2)


def kernel(phase, phase_offset):
    xn = phase.reshape(_B, _M * _G, _TS)
    on = phase_offset.reshape(_B, _M * _G, _TS)

    yn = pl.pallas_call(
        _pulse_body,
        grid=(_M,),
        in_specs=[
            pl.BlockSpec((_B, _G, _TS), lambda m: (0, m, 0)),
            pl.BlockSpec((_B, _G, _TS), lambda m: (0, m, 0)),
        ],
        out_specs=pl.BlockSpec((_B, _G, _TS), lambda m: (0, m, 0)),
        out_shape=jax.ShapeDtypeStruct((_B, _M * _G, _TS), jnp.float32),
        scratch_shapes=[
            pltpu.VMEM((_B, _TS, _G), jnp.float32),
            pltpu.VMEM((_B, _TS, _G), jnp.float32),
            pltpu.VMEM((_B, _TS, _G), jnp.float32),
            pltpu.VMEM((_G, _B), jnp.float32),
            pltpu.VMEM((_G, _B), jnp.float32),
            pltpu.VMEM((8, _B), jnp.float32),
            pltpu.VMEM((_B, 128), jnp.float32),
        ],
    )(xn, on)

    return yn.reshape(_B, _T)

# --- scband reference (transcript-rebuilt; emitter-appended) ---
"""Pipeline reference for scband-pulse-train-29128468202067 (READ-ONLY COPY).

The authoritative reference and input builder live on the scoring server;
editing this copy changes nothing except your own understanding.
"""

import jax, jax.numpy as jnp
import numpy as np

B = 32
T = 262144

def setup_inputs(seed: int = 0) -> dict:
    key = jax.random.key(seed)
    k1, k2 = jax.random.split(key)
    # phase must satisfy 0 <= phase <= 0.5 (enforced by the module's input hook)
    phase = jax.random.uniform(k1, (B, T), dtype=jnp.float32) * 0.5
    phase_offset = jax.random.uniform(k2, (B, T), dtype=jnp.float32)
    return {"phase": phase, "phase_offset": phase_offset}

def reference(phase, phase_offset):
    # AudioTensor.reduce_hop_length() with hop_length == 1 is identity
    upsampled_phase = phase
    instant_phase = jnp.cumsum(upsampled_phase, axis=1)
    instant_phase = instant_phase + phase_offset
    wrapped_phase = instant_phase % 1
    phase_transition = (wrapped_phase[:, 1:] - wrapped_phase[:, :-1]) < 0
    up1 = upsampled_phase[:, 1:]
    # safe rsqrt: only applied where a transition occurred (matches masked scatter in torch)
    safe = jnp.where(phase_transition, up1, 1.0)
    vals = jnp.where(phase_transition, jax.lax.rsqrt(safe), 0.0)
    out = jnp.zeros_like(upsampled_phase)
    out = out.at[:, 1:].set(vals)
    return out

if __name__ == "__main__":
    import jax
    _d = setup_inputs()
    print(jax.jit(kernel)(*tuple(_d.values())))

</pallas_src>

<mosaic_0001>
module attributes {stable_mosaic.version = 14 : i64} {
  func.func @_pulse_body(%arg0: i32, %arg1: memref<32x128x128xf32, #tpu.memory_space<vmem>>, %arg2: memref<32x128x128xf32, #tpu.memory_space<vmem>>, %arg3: memref<32x128x128xf32, #tpu.memory_space<vmem>>, %arg4: memref<32x128x128xf32, #tpu.memory_space<vmem>>, %arg5: memref<32x128x128xf32, #tpu.memory_space<vmem>>, %arg6: memref<32x128x128xf32, #tpu.memory_space<vmem>>, %arg7: memref<128x32xf32, #tpu.memory_space<vmem>>, %arg8: memref<128x32xf32, #tpu.memory_space<vmem>>, %arg9: memref<8x32xf32, #tpu.memory_space<vmem>>, %arg10: memref<32x128xf32, #tpu.memory_space<vmem>>) attributes {dimension_semantics = [#tpu.dimension_semantics<arbitrary>], iteration_bounds = array<i64: 16>, scalar_prefetch = 0 : i64, scratch_operands = 7 : i64, tpu.core_type = #tpu.core_type<tc>, window_params = [{transform_indices = @transform_0, window_bounds = array<i64: 32, 128, 128>}, {transform_indices = @transform_1, window_bounds = array<i64: 32, 128, 128>}, {transform_indices = @transform_2, window_bounds = array<i64: 32, 128, 128>}]} {
    %eq3A = arith.constant 0 : i32
    %eq3A_0 = arith.cmpi eq, %arg0, %eq3A : i32
    %convert_element_type3A = arith.extui %eq3A_0 : i1 to i32
    %cond3A = arith.constant 0 : i32
    %cond3A_1 = arith.cmpi ne, %convert_element_type3A, %cond3A : i32
    scf.if %cond3A_1 {
      %broadcast_in_dim3A_76 = arith.constant 0.000000e+00 : f32
      %broadcast_in_dim3A_77 = vector.broadcast %broadcast_in_dim3A_76 : f32 to vector<8x32xf32>
      %swap3A_78 = arith.constant 0 : index
      %swap3A_79 = arith.constant 0 : index
      %swap3A_80 = vector.load %arg9[%swap3A_78, %swap3A_79] : memref<8x32xf32, #tpu.memory_space<vmem>>, vector<8x32xf32>
      tpu.vector_store %arg9[%swap3A_78, %swap3A_79], %broadcast_in_dim3A_77 {strides = array<i32>} : memref<8x32xf32, #tpu.memory_space<vmem>>, vector<8x32xf32>,
      %broadcast_in_dim3A_81 = arith.constant 0.000000e+00 : f32
      %broadcast_in_dim3A_82 = vector.broadcast %broadcast_in_dim3A_81 : f32 to vector<32x128xf32>
      %swap3A_83 = arith.constant 0 : index
      %swap3A_84 = arith.constant 0 : index
      %swap3A_85 = vector.load %arg10[%swap3A_83, %swap3A_84] : memref<32x128xf32, #tpu.memory_space<vmem>>, vector<32x128xf32>
      tpu.vector_store %arg10[%swap3A_83, %swap3A_84], %broadcast_in_dim3A_82 {strides = array<i32>} : memref<32x128xf32, #tpu.memory_space<vmem>>, vector<32x128xf32>,
    } else {
    }
    %get3A = arith.constant 0 : index
    %get3A_2 = arith.constant 0 : index
    %get3A_3 = arith.constant 0 : index
    %get3A_4 = vector.load %arg1[%get3A, %get3A_2, %get3A_3] : memref<32x128x128xf32, #tpu.memory_space<vmem>>, vector<32x128x128xf32>
    %transpose3A = tpu.transpose %get3A_4, [0, 2, 1] : vector<32x128x128xf32> -> vector<32x128x128xf32>
    %swap3A = arith.constant 0 : index
    %swap3A_5 = arith.constant 0 : index
    %swap3A_6 = arith.constant 0 : index
    %swap3A_7 = vector.load %arg4[%swap3A, %swap3A_5, %swap3A_6] : memref<32x128x128xf32, #tpu.memory_space<vmem>>, vector<32x128x128xf32>
    tpu.vector_store %arg4[%swap3A, %swap3A_5, %swap3A_6], %transpose3A {strides = array<i32>} : memref<32x128x128xf32, #tpu.memory_space<vmem>>, vector<32x128x128xf32>,
    %get3A_8 = arith.constant 0 : index
    %get3A_9 = arith.constant 0 : index
    %get3A_10 = arith.constant 0 : index
    %get3A_11 = vector.load %arg2[%get3A_8, %get3A_9, %get3A_10] : memref<32x128x128xf32, #tpu.memory_space<vmem>>, vector<32x128x128xf32>
    %transpose3A_12 = tpu.transpose %get3A_11, [0, 2, 1] : vector<32x128x128xf32> -> vector<32x128x128xf32>
    %swap3A_13 = arith.constant 0 : index
    %swap3A_14 = arith.constant 0 : index
    %swap3A_15 = arith.constant 0 : index
    %swap3A_16 = vector.load %arg5[%swap3A_13, %swap3A_14, %swap3A_15] : memref<32x128x128xf32, #tpu.memory_space<vmem>>, vector<32x128x128xf32>
    tpu.vector_store %arg5[%swap3A_13, %swap3A_14, %swap3A_15], %transpose3A_12 {strides = array<i32>} : memref<32x128x128xf32, #tpu.memory_space<vmem>>, vector<32x128x128xf32>,
    %broadcast_in_dim3A = arith.constant 0.000000e+00 : f32
    %broadcast_in_dim3A_17 = vector.broadcast %broadcast_in_dim3A : f32 to vector<32x128xf32>
    %scan3A = arith.constant 0 : i32
    %scan3A_18 = arith.constant 128 : i32
    %scan3A_19 = arith.addi %scan3A, %scan3A_18 : i32
    %scan3A_20 = arith.constant 8 : i32
    %scan3A_21 = scf.for %scan3A_76 = %scan3A to %scan3A_19 step %scan3A_20 iter_args(%scan3A_77 = %broadcast_in_dim3A_17) -> (vector<32x128xf32>)  : i32 {
      %get3A_78 = arith.constant 0 : index
      %get3A_79 = arith.index_cast %scan3A_76 : i32 to index
      %get3A_80 = arith.constant 0 : index
      %get3A_81 = vector.load %arg4[%get3A_78, %get3A_79, %get3A_80] : memref<32x128x128xf32, #tpu.memory_space<vmem>>, vector<32x1x128xf32>
      %get3A_82 = vector.shape_cast %get3A_81 : vector<32x1x128xf32> to vector<32x128xf32>
      %add3A_83 = arith.addf %scan3A_77, %get3A_82 : vector<32x128xf32>
      %scan3A_84 = arith.constant 1 : i32
      %scan3A_85 = arith.addi %scan3A_76, %scan3A_84 : i32
      %get3A_86 = arith.constant 0 : index
      %get3A_87 = arith.index_cast %scan3A_85 : i32 to index
      %get3A_88 = arith.constant 0 : index
      %get3A_89 = vector.load %arg4[%get3A_86, %get3A_87, %get3A_88] : memref<32x128x128xf32, #tpu.memory_space<vmem>>, vector<32x1x128xf32>
      %get3A_90 = vector.shape_cast %get3A_89 : vector<32x1x128xf32> to vector<32x128xf32>
      %add3A_91 = arith.addf %add3A_83, %get3A_90 : vector<32x128xf32>
      %scan3A_92 = arith.constant 2 : i32
      %scan3A_93 = arith.addi %scan3A_76, %scan3A_92 : i32
      %get3A_94 = arith.constant 0 : index
      %get3A_95 = arith.index_cast %scan3A_93 : i32 to index
      %get3A_96 = arith.constant 0 : index
      %get3A_97 = vector.load %arg4[%get3A_94, %get3A_95, %get3A_96] : memref<32x128x128xf32, #tpu.memory_space<vmem>>, vector<32x1x128xf32>
      %get3A_98 = vector.shape_cast %get3A_97 : vector<32x1x128xf32> to vector<32x128xf32>
      %add3A_99 = arith.addf %add3A_91, %get3A_98 : vector<32x128xf32>
      %scan3A_100 = arith.constant 3 : i32
      %scan3A_101 = arith.addi %scan3A_76, %scan3A_100 : i32
      %get3A_102 = arith.constant 0 : index
      %get3A_103 = arith.index_cast %scan3A_101 : i32 to index
      %get3A_104 = arith.constant 0 : index
      %get3A_105 = vector.load %arg4[%get3A_102, %get3A_103, %get3A_104] : memref<32x128x128xf32, #tpu.memory_space<vmem>>, vector<32x1x128xf32>
      %get3A_106 = vector.shape_cast %get3A_105 : vector<32x1x128xf32> to vector<32x128xf32>
      %add3A_107 = arith.addf %add3A_99, %get3A_106 : vector<32x128xf32>
      %scan3A_108 = arith.constant 4 : i32
      %scan3A_109 = arith.addi %scan3A_76, %scan3A_108 : i32
      %get3A_110 = arith.constant 0 : index
      %get3A_111 = arith.index_cast %scan3A_109 : i32 to index
      %get3A_112 = arith.constant 0 : index
      %get3A_113 = vector.load %arg4[%get3A_110, %get3A_111, %get3A_112] : memref<32x128x128xf32, #tpu.memory_space<vmem>>, vector<32x1x128xf32>
      %get3A_114 = vector.shape_cast %get3A_113 : vector<32x1x128xf32> to vector<32x128xf32>
      %add3A_115 = arith.addf %add3A_107, %get3A_114 : vector<32x128xf32>
      %scan3A_116 = arith.constant 5 : i32
      %scan3A_117 = arith.addi %scan3A_76, %scan3A_116 : i32
      %get3A_118 = arith.constant 0 : index
      %get3A_119 = arith.index_cast %scan3A_117 : i32 to index
      %get3A_120 = arith.constant 0 : index
      %get3A_121 = vector.load %arg4[%get3A_118, %get3A_119, %get3A_120] : memref<32x128x128xf32, #tpu.memory_space<vmem>>, vector<32x1x128xf32>
      %get3A_122 = vector.shape_cast %get3A_121 : vector<32x1x128xf32> to vector<32x128xf32>
      %add3A_123 = arith.addf %add3A_115, %get3A_122 : vector<32x128xf32>
      %scan3A_124 = arith.constant 6 : i32
      %scan3A_125 = arith.addi %scan3A_76, %scan3A_124 : i32
      %get3A_126 = arith.constant 0 : index
      %get3A_127 = arith.index_cast %scan3A_125 : i32 to index
      %get3A_128 = arith.constant 0 : index
      %get3A_129 = vector.load %arg4[%get3A_126, %get3A_127, %get3A_128] : memref<32x128x128xf32, #tpu.memory_space<vmem>>, vector<32x1x128xf32>
      %get3A_130 = vector.shape_cast %get3A_129 : vector<32x1x128xf32> to vector<32x128xf32>
      %add3A_131 = arith.addf %add3A_123, %get3A_130 : vector<32x128xf32>
      %scan3A_132 = arith.constant 7 : i32
      %scan3A_133 = arith.addi %scan3A_76, %scan3A_132 : i32
      %get3A_134 = arith.constant 0 : index
      %get3A_135 = arith.index_cast %scan3A_133 : i32 to index
      %get3A_136 = arith.constant 0 : index
      %get3A_137 = vector.load %arg4[%get3A_134, %get3A_135, %get3A_136] : memref<32x128x128xf32, #tpu.memory_space<vmem>>, vector<32x1x128xf32>
      %get3A_138 = vector.shape_cast %get3A_137 : vector<32x1x128xf32> to vector<32x128xf32>
      %add3A_139 = arith.addf %add3A_131, %get3A_138 : vector<32x128xf32>
      scf.yield %add3A_139 : vector<32x128xf32>
    }
    %scan3A_22 = arith.constant 128 : i32
    %transpose3A_23 = tpu.transpose %scan3A_21, [1, 0] : vector<32x128xf32> -> vector<128x32xf32>
    %swap3A_24 = arith.constant 0 : index
    %swap3A_25 = arith.constant 0 : index
    %swap3A_26 = vector.load %arg7[%swap3A_24, %swap3A_25] : memref<128x32xf32, #tpu.memory_space<vmem>>, vector<128x32xf32>
    tpu.vector_store %arg7[%swap3A_24, %swap3A_25], %transpose3A_23 {strides = array<i32>} : memref<128x32xf32, #tpu.memory_space<vmem>>, vector<128x32xf32>,
    %get3A_27 = arith.constant 0 : index
    %get3A_28 = arith.constant 0 : index
    %get3A_29 = vector.load %arg9[%get3A_27, %get3A_28] : memref<8x32xf32, #tpu.memory_space<vmem>>, vector<1x32xf32>
    %broadcast_in_dim3A_30 = arith.constant 0.000000e+00 : f32
    %broadcast_in_dim3A_31 = vector.broadcast %broadcast_in_dim3A_30 : f32 to vector<1x32xf32>
    %scan3A_32 = arith.constant 0 : i32
    %scan3A_33 = arith.constant 128 : i32
    %scan3A_34 = arith.addi %scan3A_32, %scan3A_33 : i32
    %scan3A_35 = arith.constant 8 : i32
    %scan3A_36 = scf.for %scan3A_76 = %scan3A_32 to %scan3A_34 step %scan3A_35 iter_args(%scan3A_77 = %broadcast_in_dim3A_31) -> (vector<1x32xf32>)  : i32 {
      %add3A_78 = arith.addf %scan3A_77, %get3A_29 : vector<1x32xf32>
      %swap3A_79 = arith.index_cast %scan3A_76 : i32 to index
      %swap3A_80 = arith.constant 0 : index
      %swap3A_81 = vector.load %arg8[%swap3A_79, %swap3A_80] : memref<128x32xf32, #tpu.memory_space<vmem>>, vector<1x32xf32>
      tpu.vector_store %arg8[%swap3A_79, %swap3A_80], %add3A_78 {strides = array<i32>} : memref<128x32xf32, #tpu.memory_space<vmem>>, vector<1x32xf32>,
      %get3A_82 = arith.index_cast %scan3A_76 : i32 to index
      %get3A_83 = arith.constant 0 : index
      %get3A_84 = vector.load %arg7[%get3A_82, %get3A_83] : memref<128x32xf32, #tpu.memory_space<vmem>>, vector<1x32xf32>
      %add3A_85 = arith.addf %scan3A_77, %get3A_84 : vector<1x32xf32>
      %scan3A_86 = arith.constant 1 : i32
      %scan3A_87 = arith.addi %scan3A_76, %scan3A_86 : i32
      %add3A_88 = arith.addf %add3A_85, %get3A_29 : vector<1x32xf32>
      %swap3A_89 = arith.index_cast %scan3A_87 : i32 to index
      %swap3A_90 = arith.constant 0 : index
      %swap3A_91 = vector.load %arg8[%swap3A_89, %swap3A_90] : memref<128x32xf32, #tpu.memory_space<vmem>>, vector<1x32xf32>
      tpu.vector_store %arg8[%swap3A_89, %swap3A_90], %add3A_88 {strides = array<i32>} : memref<128x32xf32, #tpu.memory_space<vmem>>, vector<1x32xf32>,
      %get3A_92 = arith.index_cast %scan3A_87 : i32 to index
      %get3A_93 = arith.constant 0 : index
      %get3A_94 = vector.load %arg7[%get3A_92, %get3A_93] : memref<128x32xf32, #tpu.memory_space<vmem>>, vector<1x32xf32>
      %add3A_95 = arith.addf %add3A_85, %get3A_94 : vector<1x32xf32>
      %scan3A_96 = arith.constant 2 : i32
      %scan3A_97 = arith.addi %scan3A_76, %scan3A_96 : i32
      %add3A_98 = arith.addf %add3A_95, %get3A_29 : vector<1x32xf32>
      %swap3A_99 = arith.index_cast %scan3A_97 : i32 to index
      %swap3A_100 = arith.constant 0 : index
      %swap3A_101 = vector.load %arg8[%swap3A_99, %swap3A_100] : memref<128x32xf32, #tpu.memory_space<vmem>>, vector<1x32xf32>
      tpu.vector_store %arg8[%swap3A_99, %swap3A_100], %add3A_98 {strides = array<i32>} : memref<128x32xf32, #tpu.memory_space<vmem>>, vector<1x32xf32>,
      %get3A_102 = arith.index_cast %scan3A_97 : i32 to index
      %get3A_103 = arith.constant 0 : index
      %get3A_104 = vector.load %arg7[%get3A_102, %get3A_103] : memref<128x32xf32, #tpu.memory_space<vmem>>, vector<1x32xf32>
      %add3A_105 = arith.addf %add3A_95, %get3A_104 : vector<1x32xf32>
      %scan3A_106 = arith.constant 3 : i32
      %scan3A_107 = arith.addi %scan3A_76, %scan3A_106 : i32
      %add3A_108 = arith.addf %add3A_105, %get3A_29 : vector<1x32xf32>
      %swap3A_109 = arith.index_cast %scan3A_107 : i32 to index
      %swap3A_110 = arith.constant 0 : index
      %swap3A_111 = vector.load %arg8[%swap3A_109, %swap3A_110] : memref<128x32xf32, #tpu.memory_space<vmem>>, vector<1x32xf32>
      tpu.vector_store %arg8[%swap3A_109, %swap3A_110], %add3A_108 {strides = array<i32>} : memref<128x32xf32, #tpu.memory_space<vmem>>, vector<1x32xf32>,
      %get3A_112 = arith.index_cast %scan3A_107 : i32 to index
      %get3A_113 = arith.constant 0 : index
      %get3A_114 = vector.load %arg7[%get3A_112, %get3A_113] : memref<128x32xf32, #tpu.memory_space<vmem>>, vector<1x32xf32>
      %add3A_115 = arith.addf %add3A_105, %get3A_114 : vector<1x32xf32>
      %scan3A_116 = arith.constant 4 : i32
      %scan3A_117 = arith.addi %scan3A_76, %scan3A_116 : i32
      %add3A_118 = arith.addf %add3A_115, %get3A_29 : vector<1x32xf32>
      %swap3A_119 = arith.index_cast %scan3A_117 : i32 to index
      %swap3A_120 = arith.constant 0 : index
      %swap3A_121 = vector.load %arg8[%swap3A_119, %swap3A_120] : memref<128x32xf32, #tpu.memory_space<vmem>>, vector<1x32xf32>
      tpu.vector_store %arg8[%swap3A_119, %swap3A_120], %add3A_118 {strides = array<i32>} : memref<128x32xf32, #tpu.memory_space<vmem>>, vector<1x32xf32>,
      %get3A_122 = arith.index_cast %scan3A_117 : i32 to index
      %get3A_123 = arith.constant 0 : index
      %get3A_124 = vector.load %arg7[%get3A_122, %get3A_123] : memref<128x32xf32, #tpu.memory_space<vmem>>, vector<1x32xf32>
      %add3A_125 = arith.addf %add3A_115, %get3A_124 : vector<1x32xf32>
      %scan3A_126 = arith.constant 5 : i32
      %scan3A_127 = arith.addi %scan3A_76, %scan3A_126 : i32
      %add3A_128 = arith.addf %add3A_125, %get3A_29 : vector<1x32xf32>
      %swap3A_129 = arith.index_cast %scan3A_127 : i32 to index
      %swap3A_130 = arith.constant 0 : index
      %swap3A_131 = vector.load %arg8[%swap3A_129, %swap3A_130] : memref<128x32xf32, #tpu.memory_space<vmem>>, vector<1x32xf32>
      tpu.vector_store %arg8[%swap3A_129, %swap3A_130], %add3A_128 {strides = array<i32>} : memref<128x32xf32, #tpu.memory_space<vmem>>, vector<1x32xf32>,
      %get3A_132 = arith.index_cast %scan3A_127 : i32 to index
      %get3A_133 = arith.constant 0 : index
      %get3A_134 = vector.load %arg7[%get3A_132, %get3A_133] : memref<128x32xf32, #tpu.memory_space<vmem>>, vector<1x32xf32>
      %add3A_135 = arith.addf %add3A_125, %get3A_134 : vector<1x32xf32>
      %scan3A_136 = arith.constant 6 : i32
      %scan3A_137 = arith.addi %scan3A_76, %scan3A_136 : i32
      %add3A_138 = arith.addf %add3A_135, %get3A_29 : vector<1x32xf32>
      %swap3A_139 = arith.index_cast %scan3A_137 : i32 to index
      %swap3A_140 = arith.constant 0 : index
      %swap3A_141 = vector.load %arg8[%swap3A_139, %swap3A_140] : memref<128x32xf32, #tpu.memory_space<vmem>>, vector<1x32xf32>
      tpu.vector_store %arg8[%swap3A_139, %swap3A_140], %add3A_138 {strides = array<i32>} : memref<128x32xf32, #tpu.memory_space<vmem>>, vector<1x32xf32>,
      %get3A_142 = arith.index_cast %scan3A_137 : i32 to index
      %get3A_143 = arith.constant 0 : index
      %get3A_144 = vector.load %arg7[%get3A_142, %get3A_143] : memref<128x32xf32, #tpu.memory_space<vmem>>, vector<1x32xf32>
      %add3A_145 = arith.addf %add3A_135, %get3A_144 : vector<1x32xf32>
      %scan3A_146 = arith.constant 7 : i32
      %scan3A_147 = arith.addi %scan3A_76, %scan3A_146 : i32
      %add3A_148 = arith.addf %add3A_145, %get3A_29 : vector<1x32xf32>
      %swap3A_149 = arith.index_cast %scan3A_147 : i32 to index
      %swap3A_150 = arith.constant 0 : index
      %swap3A_151 = vector.load %arg8[%swap3A_149, %swap3A_150] : memref<128x32xf32, #tpu.memory_space<vmem>>, vector<1x32xf32>
      tpu.vector_store %arg8[%swap3A_149, %swap3A_150], %add3A_148 {strides = array<i32>} : memref<128x32xf32, #tpu.memory_space<vmem>>, vector<1x32xf32>,
      %get3A_152 = arith.index_cast %scan3A_147 : i32 to index
      %get3A_153 = arith.constant 0 : index
      %get3A_154 = vector.load %arg7[%get3A_152, %get3A_153] : memref<128x32xf32, #tpu.memory_space<vmem>>, vector<1x32xf32>
      %add3A_155 = arith.addf %add3A_145, %get3A_154 : vector<1x32xf32>
      scf.yield %add3A_155 : vector<1x32xf32>
    }
    %scan3A_37 = arith.constant 128 : i32
    %add3A = arith.addf %get3A_29, %scan3A_36 : vector<1x32xf32>
    %swap3A_38 = arith.constant 0 : index
    %swap3A_39 = arith.constant 0 : index
    %swap3A_40 = vector.load %arg9[%swap3A_38, %swap3A_39] : memref<8x32xf32, #tpu.memory_space<vmem>>, vector<1x32xf32>
    tpu.vector_store %arg9[%swap3A_38, %swap3A_39], %add3A {strides = array<i32>} : memref<8x32xf32, #tpu.memory_space<vmem>>, vector<1x32xf32>,
    %get3A_41 = arith.constant 0 : index
    %get3A_42 = arith.constant 0 : index
    %get3A_43 = vector.load %arg8[%get3A_41, %get3A_42] : memref<128x32xf32, #tpu.memory_space<vmem>>, vector<128x32xf32>
    %transpose3A_44 = tpu.transpose %get3A_43, [1, 0] : vector<128x32xf32> -> vector<32x128xf32>
    %add3A_45 = arith.addf %scan3A_21, %transpose3A_44 : vector<32x128xf32>
    %get3A_46 = arith.constant 0 : index
    %get3A_47 = arith.constant 127 : index
    %get3A_48 = arith.constant 0 : index
    %get3A_49 = vector.load %arg5[%get3A_46, %get3A_47, %get3A_48] : memref<32x128x128xf32, #tpu.memory_space<vmem>>, vector<32x1x128xf32>
    %get3A_50 = vector.shape_cast %get3A_49 : vector<32x1x128xf32> to vector<32x128xf32>
    %add3A_51 = arith.addf %add3A_45, %get3A_50 : vector<32x128xf32>
    %floor3A = math.floor %add3A_51 : vector<32x128xf32>
    %sub3A = arith.subf %add3A_51, %floor3A : vector<32x128xf32>
    %get3A_52 = arith.constant 0 : index
    %get3A_53 = arith.constant 0 : index
    %get3A_54 = vector.load %arg10[%get3A_52, %get3A_53] : memref<32x128xf32, #tpu.memory_space<vmem>>, vector<32x1xf32>
    %slice3A = vector.extract_strided_slice %sub3A {offsets = [0, 0], sizes = [32, 127], strides = [1, 1]} : vector<32x128xf32> to vector<32x127xf32>
    %concatenate3A = tpu.concatenate %get3A_54, %slice3A in 1 : vector<32x1xf32>, vector<32x127xf32> -> vector<32x128xf32>
    %slice3A_55 = vector.extract_strided_slice %sub3A {offsets = [0, 127], sizes = [32, 1], strides = [1, 1]} : vector<32x128xf32> to vector<32x1xf32>
    %swap3A_56 = arith.constant 0 : index
    %swap3A_57 = arith.constant 0 : index
    %swap3A_58 = vector.load %arg10[%swap3A_56, %swap3A_57] : memref<32x128xf32, #tpu.memory_space<vmem>>, vector<32x1xf32>
    tpu.vector_store %arg10[%swap3A_56, %swap3A_57], %slice3A_55 {strides = array<i32>} : memref<32x128xf32, #tpu.memory_space<vmem>>, vector<32x1xf32>,
    %broadcast_in_dim3A_59 = arith.constant 0.000000e+00 : f32
    %broadcast_in_dim3A_60 = vector.broadcast %broadcast_in_dim3A_59 : f32 to vector<32x128xf32>
    %scan3A_61 = arith.constant 0 : i32
    %scan3A_62 = arith.constant 128 : i32
    %scan3A_63 = arith.addi %scan3A_61, %scan3A_62 : i32
    %scan3A_64 = arith.constant 8 : i32
    %scan3A_65:2 = scf.for %scan3A_76 = %scan3A_61 to %scan3A_63 step %scan3A_64 iter_args(%scan3A_77 = %broadcast_in_dim3A_60, %scan3A_78 = %concatenate3A) -> (vector<32x128xf32>, vector<32x128xf32>)  : i32 {
      %get3A_79 = arith.constant 0 : index
      %get3A_80 = arith.index_cast %scan3A_76 : i32 to index
      %get3A_81 = arith.constant 0 : index
      %get3A_82 = vector.load %arg4[%get3A_79, %get3A_80, %get3A_81] : memref<32x128x128xf32, #tpu.memory_space<vmem>>, vector<32x1x128xf32>
      %get3A_83 = vector.shape_cast %get3A_82 : vector<32x1x128xf32> to vector<32x128xf32>
      %add3A_84 = arith.addf %scan3A_77, %get3A_83 : vector<32x128xf32>
      %add3A_85 = arith.addf %add3A_84, %transpose3A_44 : vector<32x128xf32>
      %get3A_86 = arith.constant 0 : index
      %get3A_87 = arith.index_cast %scan3A_76 : i32 to index
      %get3A_88 = arith.constant 0 : index
      %get3A_89 = vector.load %arg5[%get3A_86, %get3A_87, %get3A_88] : memref<32x128x128xf32, #tpu.memory_space<vmem>>, vector<32x1x128xf32>
      %get3A_90 = vector.shape_cast %get3A_89 : vector<32x1x128xf32> to vector<32x128xf32>
      %add3A_91 = arith.addf %add3A_85, %get3A_90 : vector<32x128xf32>
      %floor3A_92 = math.floor %add3A_91 : vector<32x128xf32>
      %sub3A_93 = arith.subf %add3A_91, %floor3A_92 : vector<32x128xf32>
      %sub3A_94 = arith.subf %sub3A_93, %scan3A_78 : vector<32x128xf32>
      %lt3A = arith.constant 0.000000e+00 : f32
      %lt3A_95 = vector.broadcast %lt3A : f32 to vector<32x128xf32>
      %lt3A_96 = arith.cmpf olt, %sub3A_94, %lt3A_95 : vector<32x128xf32>
      %jit3A = arith.constant 1.000000e+00 : f32
      %broadcast_in_dim3A_97 = vector.broadcast %jit3A : f32 to vector<32x128xf32>
      %select_n3A = arith.select %lt3A_96, %get3A_83, %broadcast_in_dim3A_97 : vector<32x128xi1>, vector<32x128xf32>
      %rsqrt3A = math.rsqrt %select_n3A : vector<32x128xf32>
      %jit3A_98 = arith.constant 0.000000e+00 : f32
      %broadcast_in_dim3A_99 = vector.broadcast %jit3A_98 : f32 to vector<32x128xf32>
      %select_n3A_100 = arith.select %lt3A_96, %rsqrt3A, %broadcast_in_dim3A_99 : vector<32x128xi1>, vector<32x128xf32>
      %swap3A_101 = arith.constant 0 : index
      %swap3A_102 = arith.index_cast %scan3A_76 : i32 to index
      %swap3A_103 = arith.constant 0 : index
      %swap3A_104 = vector.load %arg6[%swap3A_101, %swap3A_102, %swap3A_103] : memref<32x128x128xf32, #tpu.memory_space<vmem>>, vector<32x1x128xf32>
      %swap3A_105 = vector.shape_cast %swap3A_104 : vector<32x1x128xf32> to vector<32x128xf32>
      %swap3A_106 = vector.shape_cast %select_n3A_100 : vector<32x128xf32> to vector<32x1x128xf32>
      tpu.vector_store %arg6[%swap3A_101, %swap3A_102, %swap3A_103], %swap3A_106 {strides = array<i32>} : memref<32x128x128xf32, #tpu.memory_space<vmem>>, vector<32x1x128xf32>,
      %scan3A_107 = arith.constant 1 : i32
      %scan3A_108 = arith.addi %scan3A_76, %scan3A_107 : i32
      %get3A_109 = arith.constant 0 : index
      %get3A_110 = arith.index_cast %scan3A_108 : i32 to index
      %get3A_111 = arith.constant 0 : index
      %get3A_112 = vector.load %arg4[%get3A_109, %get3A_110, %get3A_111] : memref<32x128x128xf32, #tpu.memory_space<vmem>>, vector<32x1x128xf32>
      %get3A_113 = vector.shape_cast %get3A_112 : vector<32x1x128xf32> to vector<32x128xf32>
      %add3A_114 = arith.addf %add3A_84, %get3A_113 : vector<32x128xf32>
      %add3A_115 = arith.addf %add3A_114, %transpose3A_44 : vector<32x128xf32>
      %get3A_116 = arith.constant 0 : index
      %get3A_117 = arith.index_cast %scan3A_108 : i32 to index
      %get3A_118 = arith.constant 0 : index
      %get3A_119 = vector.load %arg5[%get3A_116, %get3A_117, %get3A_118] : memref<32x128x128xf32, #tpu.memory_space<vmem>>, vector<32x1x128xf32>
      %get3A_120 = vector.shape_cast %get3A_119 : vector<32x1x128xf32> to vector<32x128xf32>
      %add3A_121 = arith.addf %add3A_115, %get3A_120 : vector<32x128xf32>
      %floor3A_122 = math.floor %add3A_121 : vector<32x128xf32>
      %sub3A_123 = arith.subf %add3A_121, %floor3A_122 : vector<32x128xf32>
      %sub3A_124 = arith.subf %sub3A_123, %sub3A_93 : vector<32x128xf32>
      %lt3A_125 = arith.constant 0.000000e+00 : f32
      %lt3A_126 = vector.broadcast %lt3A_125 : f32 to vector<32x128xf32>
      %lt3A_127 = arith.cmpf olt, %sub3A_124, %lt3A_126 : vector<32x128xf32>
      %jit3A_128 = arith.constant 1.000000e+00 : f32
      %broadcast_in_dim3A_129 = vector.broadcast %jit3A_128 : f32 to vector<32x128xf32>
      %select_n3A_130 = arith.select %lt3A_127, %get3A_113, %broadcast_in_dim3A_129 : vector<32x128xi1>, vector<32x128xf32>
      %rsqrt3A_131 = math.rsqrt %select_n3A_130 : vector<32x128xf32>
      %jit3A_132 = arith.constant 0.000000e+00 : f32
      %broadcast_in_dim3A_133 = vector.broadcast %jit3A_132 : f32 to vector<32x128xf32>
      %select_n3A_134 = arith.select %lt3A_127, %rsqrt3A_131, %broadcast_in_dim3A_133 : vector<32x128xi1>, vector<32x128xf32>
      %swap3A_135 = arith.constant 0 : index
      %swap3A_136 = arith.index_cast %scan3A_108 : i32 to index
      %swap3A_137 = arith.constant 0 : index
      %swap3A_138 = vector.load %arg6[%swap3A_135, %swap3A_136, %swap3A_137] : memref<32x128x128xf32, #tpu.memory_space<vmem>>, vector<32x1x128xf32>
      %swap3A_139 = vector.shape_cast %swap3A_138 : vector<32x1x128xf32> to vector<32x128xf32>
      %swap3A_140 = vector.shape_cast %select_n3A_134 : vector<32x128xf32> to vector<32x1x128xf32>
      tpu.vector_store %arg6[%swap3A_135, %swap3A_136, %swap3A_137], %swap3A_140 {strides = array<i32>} : memref<32x128x128xf32, #tpu.memory_space<vmem>>, vector<32x1x128xf32>,
      %scan3A_141 = arith.constant 2 : i32
      %scan3A_142 = arith.addi %scan3A_76, %scan3A_141 : i32
      %get3A_143 = arith.constant 0 : index
      %get3A_144 = arith.index_cast %scan3A_142 : i32 to index
      %get3A_145 = arith.constant 0 : index
      %get3A_146 = vector.load %arg4[%get3A_143, %get3A_144, %get3A_145] : memref<32x128x128xf32, #tpu.memory_space<vmem>>, vector<32x1x128xf32>
      %get3A_147 = vector.shape_cast %get3A_146 : vector<32x1x128xf32> to vector<32x128xf32>
      %add3A_148 = arith.addf %add3A_114, %get3A_147 : vector<32x128xf32>
      %add3A_149 = arith.addf %add3A_148, %transpose3A_44 : vector<32x128xf32>
      %get3A_150 = arith.constant 0 : index
      %get3A_151 = arith.index_cast %scan3A_142 : i32 to index
      %get3A_152 = arith.constant 0 : index
      %get3A_153 = vector.load %arg5[%get3A_150, %get3A_151, %get3A_152] : memref<32x128x128xf32, #tpu.memory_space<vmem>>, vector<32x1x128xf32>
      %get3A_154 = vector.shape_cast %get3A_153 : vector<32x1x128xf32> to vector<32x128xf32>
      %add3A_155 = arith.addf %add3A_149, %get3A_154 : vector<32x128xf32>
      %floor3A_156 = math.floor %add3A_155 : vector<32x128xf32>
      %sub3A_157 = arith.subf %add3A_155, %floor3A_156 : vector<32x128xf32>
      %sub3A_158 = arith.subf %sub3A_157, %sub3A_123 : vector<32x128xf32>
      %lt3A_159 = arith.constant 0.000000e+00 : f32
      %lt3A_160 = vector.broadcast %lt3A_159 : f32 to vector<32x128xf32>
      %lt3A_161 = arith.cmpf olt, %sub3A_158, %lt3A_160 : vector<32x128xf32>
      %jit3A_162 = arith.constant 1.000000e+00 : f32
      %broadcast_in_dim3A_163 = vector.broadcast %jit3A_162 : f32 to vector<32x128xf32>
      %select_n3A_164 = arith.select %lt3A_161, %get3A_147, %broadcast_in_dim3A_163 : vector<32x128xi1>, vector<32x128xf32>
      %rsqrt3A_165 = math.rsqrt %select_n3A_164 : vector<32x128xf32>
      %jit3A_166 = arith.constant 0.000000e+00 : f32
      %broadcast_in_dim3A_167 = vector.broadcast %jit3A_166 : f32 to vector<32x128xf32>
      %select_n3A_168 = arith.select %lt3A_161, %rsqrt3A_165, %broadcast_in_dim3A_167 : vector<32x128xi1>, vector<32x128xf32>
      %swap3A_169 = arith.constant 0 : index
      %swap3A_170 = arith.index_cast %scan3A_142 : i32 to index
      %swap3A_171 = arith.constant 0 : index
      %swap3A_172 = vector.load %arg6[%swap3A_169, %swap3A_170, %swap3A_171] : memref<32x128x128xf32, #tpu.memory_space<vmem>>, vector<32x1x128xf32>
      %swap3A_173 = vector.shape_cast %swap3A_172 : vector<32x1x128xf32> to vector<32x128xf32>
      %swap3A_174 = vector.shape_cast %select_n3A_168 : vector<32x128xf32> to vector<32x1x128xf32>
      tpu.vector_store %arg6[%swap3A_169, %swap3A_170, %swap3A_171], %swap3A_174 {strides = array<i32>} : memref<32x128x128xf32, #tpu.memory_space<vmem>>, vector<32x1x128xf32>,
      %scan3A_175 = arith.constant 3 : i32
      %scan3A_176 = arith.addi %scan3A_76, %scan3A_175 : i32
      %get3A_177 = arith.constant 0 : index
      %get3A_178 = arith.index_cast %scan3A_176 : i32 to index
      %get3A_179 = arith.constant 0 : index
      %get3A_180 = vector.load %arg4[%get3A_177, %get3A_178, %get3A_179] : memref<32x128x128xf32, #tpu.memory_space<vmem>>, vector<32x1x128xf32>
      %get3A_181 = vector.shape_cast %get3A_180 : vector<32x1x128xf32> to vector<32x128xf32>
      %add3A_182 = arith.addf %add3A_148, %get3A_181 : vector<32x128xf32>
      %add3A_183 = arith.addf %add3A_182, %transpose3A_44 : vector<32x128xf32>
      %get3A_184 = arith.constant 0 : index
      %get3A_185 = arith.index_cast %scan3A_176 : i32 to index
      %get3A_186 = arith.constant 0 : index
      %get3A_187 = vector.load %arg5[%get3A_184, %get3A_185, %get3A_186] : memref<32x128x128xf32, #tpu.memory_space<vmem>>, vector<32x1x128xf32>
      %get3A_188 = vector.shape_cast %get3A_187 : vector<32x1x128xf32> to vector<32x128xf32>
      %add3A_189 = arith.addf %add3A_183, %get3A_188 : vector<32x128xf32>
      %floor3A_190 = math.floor %add3A_189 : vector<32x128xf32>
      %sub3A_191 = arith.subf %add3A_189, %floor3A_190 : vector<32x128xf32>
      %sub3A_192 = arith.subf %sub3A_191, %sub3A_157 : vector<32x128xf32>
      %lt3A_193 = arith.constant 0.000000e+00 : f32
      %lt3A_194 = vector.broadcast %lt3A_193 : f32 to vector<32x128xf32>
      %lt3A_195 = arith.cmpf olt, %sub3A_192, %lt3A_194 : vector<32x128xf32>
      %jit3A_196 = arith.constant 1.000000e+00 : f32
      %broadcast_in_dim3A_197 = vector.broadcast %jit3A_196 : f32 to vector<32x128xf32>
      %select_n3A_198 = arith.select %lt3A_195, %get3A_181, %broadcast_in_dim3A_197 : vector<32x128xi1>, vector<32x128xf32>
      %rsqrt3A_199 = math.rsqrt %select_n3A_198 : vector<32x128xf32>
      %jit3A_200 = arith.constant 0.000000e+00 : f32
      %broadcast_in_dim3A_201 = vector.broadcast %jit3A_200 : f32 to vector<32x128xf32>
      %select_n3A_202 = arith.select %lt3A_195, %rsqrt3A_199, %broadcast_in_dim3A_201 : vector<32x128xi1>, vector<32x128xf32>
      %swap3A_203 = arith.constant 0 : index
      %swap3A_204 = arith.index_cast %scan3A_176 : i32 to index
      %swap3A_205 = arith.constant 0 : index
      %swap3A_206 = vector.load %arg6[%swap3A_203, %swap3A_204, %swap3A_205] : memref<32x128x128xf32, #tpu.memory_space<vmem>>, vector<32x1x128xf32>
      %swap3A_207 = vector.shape_cast %swap3A_206 : vector<32x1x128xf32> to vector<32x128xf32>
      %swap3A_208 = vector.shape_cast %select_n3A_202 : vector<32x128xf32> to vector<32x1x128xf32>
      tpu.vector_store %arg6[%swap3A_203, %swap3A_204, %swap3A_205], %swap3A_208 {strides = array<i32>} : memref<32x128x128xf32, #tpu.memory_space<vmem>>, vector<32x1x128xf32>,
      %scan3A_209 = arith.constant 4 : i32
      %scan3A_210 = arith.addi %scan3A_76, %scan3A_209 : i32
      %get3A_211 = arith.constant 0 : index
      %get3A_212 = arith.index_cast %scan3A_210 : i32 to index
      %get3A_213 = arith.constant 0 : index
      %get3A_214 = vector.load %arg4[%get3A_211, %get3A_212, %get3A_213] : memref<32x128x128xf32, #tpu.memory_space<vmem>>, vector<32x1x128xf32>
      %get3A_215 = vector.shape_cast %get3A_214 : vector<32x1x128xf32> to vector<32x128xf32>
      %add3A_216 = arith.addf %add3A_182, %get3A_215 : vector<32x128xf32>
      %add3A_217 = arith.addf %add3A_216, %transpose3A_44 : vector<32x128xf32>
      %get3A_218 = arith.constant 0 : index
      %get3A_219 = arith.index_cast %scan3A_210 : i32 to index
      %get3A_220 = arith.constant 0 : index
      %get3A_221 = vector.load %arg5[%get3A_218, %get3A_219, %get3A_220] : memref<32x128x128xf32, #tpu.memory_space<vmem>>, vector<32x1x128xf32>
      %get3A_222 = vector.shape_cast %get3A_221 : vector<32x1x128xf32> to vector<32x128xf32>
      %add3A_223 = arith.addf %add3A_217, %get3A_222 : vector<32x128xf32>
      %floor3A_224 = math.floor %add3A_223 : vector<32x128xf32>
      %sub3A_225 = arith.subf %add3A_223, %floor3A_224 : vector<32x128xf32>
      %sub3A_226 = arith.subf %sub3A_225, %sub3A_191 : vector<32x128xf32>
      %lt3A_227 = arith.constant 0.000000e+00 : f32
      %lt3A_228 = vector.broadcast %lt3A_227 : f32 to vector<32x128xf32>
      %lt3A_229 = arith.cmpf olt, %sub3A_226, %lt3A_228 : vector<32x128xf32>
      %jit3A_230 = arith.constant 1.000000e+00 : f32
      %broadcast_in_dim3A_231 = vector.broadcast %jit3A_230 : f32 to vector<32x128xf32>
      %select_n3A_232 = arith.select %lt3A_229, %get3A_215, %broadcast_in_dim3A_231 : vector<32x128xi1>, vector<32x128xf32>
      %rsqrt3A_233 = math.rsqrt %select_n3A_232 : vector<32x128xf32>
      %jit3A_234 = arith.constant 0.000000e+00 : f32
      %broadcast_in_dim3A_235 = vector.broadcast %jit3A_234 : f32 to vector<32x128xf32>
      %select_n3A_236 = arith.select %lt3A_229, %rsqrt3A_233, %broadcast_in_dim3A_235 : vector<32x128xi1>, vector<32x128xf32>
      %swap3A_237 = arith.constant 0 : index
      %swap3A_238 = arith.index_cast %scan3A_210 : i32 to index
      %swap3A_239 = arith.constant 0 : index
      %swap3A_240 = vector.load %arg6[%swap3A_237, %swap3A_238, %swap3A_239] : memref<32x128x128xf32, #tpu.memory_space<vmem>>, vector<32x1x128xf32>
      %swap3A_241 = vector.shape_cast %swap3A_240 : vector<32x1x128xf32> to vector<32x128xf32>
      %swap3A_242 = vector.shape_cast %select_n3A_236 : vector<32x128xf32> to vector<32x1x128xf32>
      tpu.vector_store %arg6[%swap3A_237, %swap3A_238, %swap3A_239], %swap3A_242 {strides = array<i32>} : memref<32x128x128xf32, #tpu.memory_space<vmem>>, vector<32x1x128xf32>,
      %scan3A_243 = arith.constant 5 : i32
      %scan3A_244 = arith.addi %scan3A_76, %scan3A_243 : i32
      %get3A_245 = arith.constant 0 : index
      %get3A_246 = arith.index_cast %scan3A_244 : i32 to index
      %get3A_247 = arith.constant 0 : index
      %get3A_248 = vector.load %arg4[%get3A_245, %get3A_246, %get3A_247] : memref<32x128x128xf32, #tpu.memory_space<vmem>>, vector<32x1x128xf32>
      %get3A_249 = vector.shape_cast %get3A_248 : vector<32x1x128xf32> to vector<32x128xf32>
      %add3A_250 = arith.addf %add3A_216, %get3A_249 : vector<32x128xf32>
      %add3A_251 = arith.addf %add3A_250, %transpose3A_44 : vector<32x128xf32>
      %get3A_252 = arith.constant 0 : index
      %get3A_253 = arith.index_cast %scan3A_244 : i32 to index
      %get3A_254 = arith.constant 0 : index
      %get3A_255 = vector.load %arg5[%get3A_252, %get3A_253, %get3A_254] : memref<32x128x128xf32, #tpu.memory_space<vmem>>, vector<32x1x128xf32>
      %get3A_256 = vector.shape_cast %get3A_255 : vector<32x1x128xf32> to vector<32x128xf32>
      %add3A_257 = arith.addf %add3A_251, %get3A_256 : vector<32x128xf32>
      %floor3A_258 = math.floor %add3A_257 : vector<32x128xf32>
      %sub3A_259 = arith.subf %add3A_257, %floor3A_258 : vector<32x128xf32>
      %sub3A_260 = arith.subf %sub3A_259, %sub3A_225 : vector<32x128xf32>
      %lt3A_261 = arith.constant 0.000000e+00 : f32
      %lt3A_262 = vector.broadcast %lt3A_261 : f32 to vector<32x128xf32>
      %lt3A_263 = arith.cmpf olt, %sub3A_260, %lt3A_262 : vector<32x128xf32>
      %jit3A_264 = arith.constant 1.000000e+00 : f32
      %broadcast_in_dim3A_265 = vector.broadcast %jit3A_264 : f32 to vector<32x128xf32>
      %select_n3A_266 = arith.select %lt3A_263, %get3A_249, %broadcast_in_dim3A_265 : vector<32x128xi1>, vector<32x128xf32>
      %rsqrt3A_267 = math.rsqrt %select_n3A_266 : vector<32x128xf32>
      %jit3A_268 = arith.constant 0.000000e+00 : f32
      %broadcast_in_dim3A_269 = vector.broadcast %jit3A_268 : f32 to vector<32x128xf32>
      %select_n3A_270 = arith.select %lt3A_263, %rsqrt3A_267, %broadcast_in_dim3A_269 : vector<32x128xi1>, vector<32x128xf32>
      %swap3A_271 = arith.constant 0 : index
      %swap3A_272 = arith.index_cast %scan3A_244 : i32 to index
      %swap3A_273 = arith.constant 0 : index
      %swap3A_274 = vector.load %arg6[%swap3A_271, %swap3A_272, %swap3A_273] : memref<32x128x128xf32, #tpu.memory_space<vmem>>, vector<32x1x128xf32>
      %swap3A_275 = vector.shape_cast %swap3A_274 : vector<32x1x128xf32> to vector<32x128xf32>
      %swap3A_276 = vector.shape_cast %select_n3A_270 : vector<32x128xf32> to vector<32x1x128xf32>
      tpu.vector_store %arg6[%swap3A_271, %swap3A_272, %swap3A_273], %swap3A_276 {strides = array<i32>} : memref<32x128x128xf32, #tpu.memory_space<vmem>>, vector<32x1x128xf32>,
      %scan3A_277 = arith.constant 6 : i32
      %scan3A_278 = arith.addi %scan3A_76, %scan3A_277 : i32
      %get3A_279 = arith.constant 0 : index
      %get3A_280 = arith.index_cast %scan3A_278 : i32 to index
      %get3A_281 = arith.constant 0 : index
      %get3A_282 = vector.load %arg4[%get3A_279, %get3A_280, %get3A_281] : memref<32x128x128xf32, #tpu.memory_space<vmem>>, vector<32x1x128xf32>
      %get3A_283 = vector.shape_cast %get3A_282 : vector<32x1x128xf32> to vector<32x128xf32>
      %add3A_284 = arith.addf %add3A_250, %get3A_283 : vector<32x128xf32>
      %add3A_285 = arith.addf %add3A_284, %transpose3A_44 : vector<32x128xf32>
      %get3A_286 = arith.constant 0 : index
      %get3A_287 = arith.index_cast %scan3A_278 : i32 to index
      %get3A_288 = arith.constant 0 : index
      %get3A_289 = vector.load %arg5[%get3A_286, %get3A_287, %get3A_288] : memref<32x128x128xf32, #tpu.memory_space<vmem>>, vector<32x1x128xf32>
      %get3A_290 = vector.shape_cast %get3A_289 : vector<32x1x128xf32> to vector<32x128xf32>
      %add3A_291 = arith.addf %add3A_285, %get3A_290 : vector<32x128xf32>
      %floor3A_292 = math.floor %add3A_291 : vector<32x128xf32>
      %sub3A_293 = arith.subf %add3A_291, %floor3A_292 : vector<32x128xf32>
      %sub3A_294 = arith.subf %sub3A_293, %sub3A_259 : vector<32x128xf32>
      %lt3A_295 = arith.constant 0.000000e+00 : f32
      %lt3A_296 = vector.broadcast %lt3A_295 : f32 to vector<32x128xf32>
      %lt3A_297 = arith.cmpf olt, %sub3A_294, %lt3A_296 : vector<32x128xf32>
      %jit3A_298 = arith.constant 1.000000e+00 : f32
      %broadcast_in_dim3A_299 = vector.broadcast %jit3A_298 : f32 to vector<32x128xf32>
      %select_n3A_300 = arith.select %lt3A_297, %get3A_283, %broadcast_in_dim3A_299 : vector<32x128xi1>, vector<32x128xf32>
      %rsqrt3A_301 = math.rsqrt %select_n3A_300 : vector<32x128xf32>
      %jit3A_302 = arith.constant 0.000000e+00 : f32
      %broadcast_in_dim3A_303 = vector.broadcast %jit3A_302 : f32 to vector<32x128xf32>
      %select_n3A_304 = arith.select %lt3A_297, %rsqrt3A_301, %broadcast_in_dim3A_303 : vector<32x128xi1>, vector<32x128xf32>
      %swap3A_305 = arith.constant 0 : index
      %swap3A_306 = arith.index_cast %scan3A_278 : i32 to index
      %swap3A_307 = arith.constant 0 : index
      %swap3A_308 = vector.load %arg6[%swap3A_305, %swap3A_306, %swap3A_307] : memref<32x128x128xf32, #tpu.memory_space<vmem>>, vector<32x1x128xf32>
      %swap3A_309 = vector.shape_cast %swap3A_308 : vector<32x1x128xf32> to vector<32x128xf32>
      %swap3A_310 = vector.shape_cast %select_n3A_304 : vector<32x128xf32> to vector<32x1x128xf32>
      tpu.vector_store %arg6[%swap3A_305, %swap3A_306, %swap3A_307], %swap3A_310 {strides = array<i32>} : memref<32x128x128xf32, #tpu.memory_space<vmem>>, vector<32x1x128xf32>,
      %scan3A_311 = arith.constant 7 : i32
      %scan3A_312 = arith.addi %scan3A_76, %scan3A_311 : i32
      %get3A_313 = arith.constant 0 : index
      %get3A_314 = arith.index_cast %scan3A_312 : i32 to index
      %get3A_315 = arith.constant 0 : index
      %get3A_316 = vector.load %arg4[%get3A_313, %get3A_314, %get3A_315] : memref<32x128x128xf32, #tpu.memory_space<vmem>>, vector<32x1x128xf32>
      %get3A_317 = vector.shape_cast %get3A_316 : vector<32x1x128xf32> to vector<32x128xf32>
      %add3A_318 = arith.addf %add3A_284, %get3A_317 : vector<32x128xf32>
      %add3A_319 = arith.addf %add3A_318, %transpose3A_44 : vector<32x128xf32>
      %get3A_320 = arith.constant 0 : index
      %get3A_321 = arith.index_cast %scan3A_312 : i32 to index
      %get3A_322 = arith.constant 0 : index
      %get3A_323 = vector.load %arg5[%get3A_320, %get3A_321, %get3A_322] : memref<32x128x128xf32, #tpu.memory_space<vmem>>, vector<32x1x128xf32>
      %get3A_324 = vector.shape_cast %get3A_323 : vector<32x1x128xf32> to vector<32x128xf32>
      %add3A_325 = arith.addf %add3A_319, %get3A_324 : vector<32x128xf32>
      %floor3A_326 = math.floor %add3A_325 : vector<32x128xf32>
      %sub3A_327 = arith.subf %add3A_325, %floor3A_326 : vector<32x128xf32>
      %sub3A_328 = arith.subf %sub3A_327, %sub3A_293 : vector<32x128xf32>
      %lt3A_329 = arith.constant 0.000000e+00 : f32
      %lt3A_330 = vector.broadcast %lt3A_329 : f32 to vector<32x128xf32>
      %lt3A_331 = arith.cmpf olt, %sub3A_328, %lt3A_330 : vector<32x128xf32>
      %jit3A_332 = arith.constant 1.000000e+00 : f32
      %broadcast_in_dim3A_333 = vector.broadcast %jit3A_332 : f32 to vector<32x128xf32>
      %select_n3A_334 = arith.select %lt3A_331, %get3A_317, %broadcast_in_dim3A_333 : vector<32x128xi1>, vector<32x128xf32>
      %rsqrt3A_335 = math.rsqrt %select_n3A_334 : vector<32x128xf32>
      %jit3A_336 = arith.constant 0.000000e+00 : f32
      %broadcast_in_dim3A_337 = vector.broadcast %jit3A_336 : f32 to vector<32x128xf32>
      %select_n3A_338 = arith.select %lt3A_331, %rsqrt3A_335, %broadcast_in_dim3A_337 : vector<32x128xi1>, vector<32x128xf32>
      %swap3A_339 = arith.constant 0 : index
      %swap3A_340 = arith.index_cast %scan3A_312 : i32 to index
      %swap3A_341 = arith.constant 0 : index
      %swap3A_342 = vector.load %arg6[%swap3A_339, %swap3A_340, %swap3A_341] : memref<32x128x128xf32, #tpu.memory_space<vmem>>, vector<32x1x128xf32>
      %swap3A_343 = vector.shape_cast %swap3A_342 : vector<32x1x128xf32> to vector<32x128xf32>
      %swap3A_344 = vector.shape_cast %select_n3A_338 : vector<32x128xf32> to vector<32x1x128xf32>
      tpu.vector_store %arg6[%swap3A_339, %swap3A_340, %swap3A_341], %swap3A_344 {strides = array<i32>} : memref<32x128x128xf32, #tpu.memory_space<vmem>>, vector<32x1x128xf32>,
      scf.yield %add3A_318, %sub3A_327 : vector<32x128xf32>, vector<32x128xf32>
    }
    %scan3A_66 = arith.constant 128 : i32
    %get3A_67 = arith.constant 0 : index
    %get3A_68 = arith.constant 0 : index
    %get3A_69 = arith.constant 0 : index
    %get3A_70 = vector.load %arg6[%get3A_67, %get3A_68, %get3A_69] : memref<32x128x128xf32, #tpu.memory_space<vmem>>, vector<32x128x128xf32>
    %transpose3A_71 = tpu.transpose %get3A_70, [0, 2, 1] : vector<32x128x128xf32> -> vector<32x128x128xf32>
    %swap3A_72 = arith.constant 0 : index
    %swap3A_73 = arith.constant 0 : index
    %swap3A_74 = arith.constant 0 : index
    %swap3A_75 = vector.load %arg3[%swap3A_72, %swap3A_73, %swap3A_74] : memref<32x128x128xf32, #tpu.memory_space<vmem>>, vector<32x128x128xf32>
    tpu.vector_store %arg3[%swap3A_72, %swap3A_73, %swap3A_74], %transpose3A_71 {strides = array<i32>} : memref<32x128x128xf32, #tpu.memory_space<vmem>>, vector<32x128x128xf32>,
    return
  }
  func.func @transform_0(%arg0: i32) -> (i32, i32, i32) {
    %c0_i32 = arith.constant 0 : i32
    %c0_i32_0 = arith.constant 0 : i32
    %c0_i32_1 = arith.constant 0 : i32
    return %c0_i32, %arg0, %c0_i32_0 : i32, i32, i32
  }
  func.func @transform_1(%arg0: i32) -> (i32, i32, i32) {
    %c0_i32 = arith.constant 0 : i32
    %c0_i32_0 = arith.constant 0 : i32
    %c0_i32_1 = arith.constant 0 : i32
    return %c0_i32, %arg0, %c0_i32_0 : i32, i32, i32
  }
  func.func @transform_2(%arg0: i32) -> (i32, i32, i32) {
    %c0_i32 = arith.constant 0 : i32
    %c0_i32_0 = arith.constant 0 : i32
    %c0_i32_1 = arith.constant 0 : i32
    return %c0_i32, %arg0, %c0_i32_0 : i32, i32, i32
  }
}

</mosaic_0001>

<sc_bundles>
// kernel: sparse-core-data-format-call.1.cloned.1.call-start
scs
called_computation.1_lowered:
.L_overlay_start_0:
0x0: {  	s2 =	sld [smem:$0x3FD9]  }
0x1: {  	s3 =	sld [smem:$0x3FFE];
	_ =	sdelay $0x1  }
0x2: {  	s1 =	srdreg.scid  }
0x3: {  	s0 =	sand.u32 $0x1, s1  }
0x4: {  	s19 =	sshll.u32 s0, $0xA;
	s2 =	sadd.s32 s3, s2  }
0x5: {  	s2 =	sadd.s32 s2, s19  }
0x6: {  	[smem:$0x3FC6] =	sst s2  }
0x7: {  	_ = 	snop  }
0x8: {  	s20 =	sld [smem:$0x3FC8]  }
0x9: {  	s4 =	sld [smem:$0x3FD0];
	(tm) =	ssettm $0x1  }
0xa: {  	s21 =	sld [smem:$0x3FFB];
	_ =	sdelay $0x3  }
0xb: {  	_ =	strace s21  }
0xc: {  	s2 =	sld [smem:$0x3FFC];
	_ =	sdelay $0x3  }
0xd: {  	_ =	strace s2  }
0xe: {  	s2 =	sld [smem:$0x3FFD];
	_ =	sdelay $0x3  }
0xf: {  	_ =	strace s2  }
0x10: {  	_ =	strace $0x8FFFFFFF  }
0x11: {  	s22 =	sld [smem:$0x3FDB];
	_ =	sdelay $0x1  }
0x12: {  	s5 =	simm.s32 $_scs_section_size  }
0x13: {  	s6 =	simm.s32 $_size__tile_overlayer_lowered;
	s7 =	simm.s32 $_tile_overlayer_lowered  }
0x14: {  	s8 =	simm.s32 $0x1BFF;
	s23 =	sshll.u32 s7, $0x1;
	s5 =	sadd.s32 s5, s22  }
0x15: {  	s24 =	simm.s32 $0x0;
	s6 =	sshll.u32 s6, $0x1;
	s7 =	sadd.s32 s23, s5  }
0x16: {  	[timem:s24], [sflag:s8] =	dma.local [hbm:s7], s6  }
0x17: {  	_ =	swait.ge [sflag:s8], s6  }
0x18: {  	s6 =	ssub.s32 $0x0, s6;
	[sflag:s8] =	ssyncset.done $0x0  }
0x19: {  	[sflag:s8] =	ssyncadd.s32 s6;
	_ =	sdelay $0x1  }
0x1a: {  	s25 =	simm.s32 $0x1B8B  }
0x1b: {  	_ =	swait.ge [sflag:s25], $0x1  }
0x1c: {  	[sflag:s25] =	ssyncset.done $0x0  }
0x1d: {  	[sflag:s25] =	ssyncadd.s32 $0xFFFFFFFF  }
0x1e: {  	s6 =	sld [smem:$0x0]  }
0x1f: {  	s7 =	sand.u32 $0xFFFFFFFE, s1  }
0x20: {  	p0 =	sne.s32 s1, s7  }
0x21: {  	s7 =	sshll.u32 @p0 s7, $0xE  }
0x22: {  	s7 =	sadd.s32 @p0 $0x11B8D, s7;
	s8 =	sshll.u32 @p0 s6, $0x11  }
0x23: {  	s7 =	sor.u32 @p0 s8, s7  }
0x24: {  	[sflag:s7] =	ssyncadd.remote.s32 @p0 $0x1;
	_ =	sdelay $0x1  }
0x25: {  	s7 =	simm.s32 @p0 $0x1B8D  }
0x26: {  	_ =	swait.eq @p0 [sflag:s7], $0x1  }
0x27: {  	[sflag:s7] =	ssyncadd.s32 @p0 $0xFFFFFFFF  }
0x28: {  	s8 =	sshll.u32 @!p0 s1, $0xE  }
0x29: {  	s8 =	sor.u32 @!p0 $0x4000, s8;
	s7 =	simm.s32 @!p0 $0x1B8D  }
0x2a: {  	s6 =	sshll.u32 @!p0 s6, $0x11;
	s8 =	sadd.s32 @!p0 $0x11B8D, s8;
	_ =	swait.eq @!p0 [sflag:s7], $0x1  }
0x2b: {  	s6 =	sor.u32 @!p0 s6, s8;
	[sflag:s7] =	ssyncadd.s32 @!p0 $0xFFFFFFFF  }
0x2c: {  	s26 =	simm.s32 $0x1B8E;
	[sflag:s6] =	ssyncadd.remote.s32 @!p0 $0x1  }
0x2d: {  	s27 =	simm.s32 $execute0_lowered;
	[smem:$0x3FD2] =	sst s26  }
0x2e: {  	s6 =	sshll.u32 s27, $0x1;
	_ =	strace $0x80000049;
	[dreg:$0x1] =	wrdreg $0xFFFFFFFF  }
0x2f: {  	s28 =	simm.s32 $_size_execute0_lowered;
	s5 =	sadd.s32 s5, s6;
	[dreg:$0x0] =	wrdreg $0x0  }
0x30: {  	s6 =	sshll.u32 s28, $0x1;
	[dreg:$0x2] =	wrdreg s5  }
0x31: {  	[dreg:$0x3] =	wrdreg s6  }
0x32: {  	[dreg:$0x4] =	wrdreg $0xC0  }
0x33: {  	_ =	task [dreg:s24], $0x5FFFF  }
0x34: {  	[dreg:$0x1] =	wrdreg $0xFFFFFFFF  }
0x35: {  	[dreg:$0x0] =	wrdreg $0x60  }
0x36: {  	[dreg:$0x2] =	wrdreg s20  }
0x37: {  	[dreg:$0x3] =	wrdreg s4  }
0x38: {  	[dreg:$0x4] =	wrdreg $0x9  }
0x39: {  	_ =	task.clear_ibuf [dreg:s24], $0x5FFFF;
	_ =	strace $0x90000049  }
0x3a: {  	s29 =	simm.s32 $0x9;
	_ =	strace $0x8000004B  }
0x3b: {  	_ =	swait.ge [sflag:s29], $0x1  }
0x3c: {  	[sflag:s29] =	ssyncadd.s32 $0xFFFFFFFF  }
0x3d: {  	_ =	strace $0x9000004B  }
0x3e: {  	_ =	sfence  }
0x3f: {  	s30 =	sld [smem:$0x0];
	_ =	sdelay $0x2  }
0x40: {  	s31 =	sshll.u32 s1, $0xD;
	s1 =	sshrl.u32 s1, $0x2  }
0x41: {  	s4 =	sand.u32 $0x4000, s31;
	s1 =	sadd.s32 s1, s30  }
0x42: {  	s0 =	sor.u32 s4, s0;
	s1 =	sshll.u32 s1, $0x11  }
0x43: {  	s0 =	sor.u32 s1, s0  }
0x44: {  	s0 =	sadd.s32 $0x8F2B, s0  }
0x45: {  	[sflag:s0] =	ssyncadd.remote.s32 $0x1  }
0x46: {  	_ =	sfence.sel $0xFFFF  }
0x47: {  	[dreg:$0x0] =	wrdreg $0xFFFFFFFF;
	(pc) =	sbr.abs _section_cstart, $3  }
0x48: {  	[dreg:$0x1] =	wrdreg $0xFFFFFFFF  }
0x49: {  	_ =	task.clear_ibuf [dreg:s24], $0x2FFFF;
	_ =	strace $0x9FFFFFFF  }
0x4a: {  	(tm) =	ssettm $0x7FFFFFFF  }
0x4b: {  	_ =	shalt  }
tec
execute0_lowered:
.L_overlay_start_1:
0x0: {  	(tag) =	ssettag $0x1  }
0x1: {  	s0 =	stileid.u32;
	s1 =	srdreg.scid  }
0x2: {  	s4 =	rddreg [dreg:$0x1];
	s7 =	simm.s32 $0x1;
	s8 =	simm.s32 $0x2  }
0x3: {  	s15 =	simm.s32 $0x0;
	s2 =	sshll.u32 s0, $0x2;
	s1 =	sshll.u32 s1, $0x6  }
0x4: {  	s9 =	simm.s32 $0x800;
	s10 =	simm.s32 $0x40000;
	s1 =	sor.u32 s2, s1  }
0x5: {  	s11 =	simm.s32 $0x0;
	s16 =	simm.s32 $0x0;
	s3 =	sand.u32 $0x70, s1  }
0x6: {  	s14 =	simm.s32 $0x0;
	s2 =	rddreg [dreg:$0x0];
	s6 =	ssub.s32 $0x800, s3  }
.Ltmp0:
0x7: {  	s1 =	rddreg [dreg:$0x2];
	s5 =	sand.u32 $0x70, s6;
	(pc) =	sbr.rel .LBB1_1-.Ltmp0, $4  }
0x8: {  	_ =	strace $0x8000004A;
	s12 =	smov.u32 s3;
	p0 =	sne.s32 s5, $0x0  }
0x9: {  	s6 =	sshrl.u32 s6, $0x7;
	s5 =	simm.s32 $0x1;
	s7 =	simm.s32 @!p0 $0x0  }
0xa: {  	[sflag:s5] =	ssyncpa.u1 $0x0;
	s6 =	sadd.s32 s7, s6;
	s7 =	sand.u32 $0x3, s0  }
0xb: {  	[sflag:s8] =	ssyncpa.u1 $0x0;
	s8 =	sadd.s32 $0x1, s6;
	s13 =	smov.u32 s7  }
.LBB1_7:
0xc: {  	s17 =	sadd.s32 $0x80, s12  }
0xd: {  	s15 =	sadd.s32 $0x4, s13;
	s19 =	smov.u32 s13;
	p1 =	sgt.s32 s17, $0x7FF  }
0xe: {  	s19 =	smov.u32 @p1 s15  }
0xf: {  	s17 =	smov.u32 @p1 s3;
	p1 =	sgt.s32 s19, $0x3  }
0x10: {  	s19 =	smov.u32 @p1 s7;
	p1 =	sne.s32 s14, s8  }
.Ltmp1:
0x11: {  	p0 =	slt.u32 s14, $0x2;
	(pc) =	sbr.rel @!p1 .LBB1_8-.Ltmp1, $4  }
0x12: {  	s18 =	simm.s32 @!p0 $0x2  }
0x13: {  	s16 =	smov.u32 s13;
	s11 =	sadd.s32 $0x4000, s11;
	_ =	swait.ge @!p0 [sflag:s18], $0x4000  }
0x14: {  	s15 =	smov.u32 s12;
	[sflag:s18] =	ssyncset.done @!p0 $0x0;
	s12 =	smov.u32 s17  }
0x15: {  	s14 =	sadd.s32 $0x1, s14;
	[sflag:s18] =	ssyncadd.s32 @!p0 $0xFFFFC000;
	s13 =	smov.u32 s19  }
.LBB1_1:
0x16: {  	p0 =	sge.u32 s14, s6  }
0x17: {  	s31 =	sadd.s32 $0xFFFFFFFF, s14;
	s17 =	sxor.u32 @!p0 $0xFFFFFFFF, s14;
	s18 =	sshll.u32 @!p0 s13, $0x12  }
0x18: {  	s19 =	sshll.u32 @!p0 s12, $0x7;
	s17 =	sshll.u32 @!p0 s17, $0xE;
	s18 =	sadd.s32 @!p0 s2, s18  }
0x19: {  	s17 =	sand.u32 @!p0 $0x4000, s17;
	s18 =	sadd.s32 @!p0 s19, s18;
	s19 =	simm.s32 @!p0 $0x0  }
0x1a: {  	[tilespmem:s17], [sflag:$0x1] =	stream.linear.gather @!p0 [hbm4b:s18+s19], $0x4000, $0x38;
	[tilespmem:$0x10000] =	vst v63  }
0x1b: {  	p0 =	sge.u32 s31, s6  }
.Ltmp2:
0x1c: {  	_ = 	snop;
	(pc) =	sbr.rel @p0 .LBB1_7-.Ltmp2, $1  }
0x1d: {  	_ =	sdelay $0x3  }
0x1e: {  	s18 =	sand.u32 $0x4000, s11  }
0x1f: {  	_ =	swait.ge [sflag:s5], $0x4000;
	s20 =	sshll.u32 s14, $0xE;
	s17 =	sor.u32 $0x8040, s18  }
0x20: {  	s19 =	sor.u32 $0x40, s18;
	[sflag:s5] =	ssyncset.done $0x0;
	s31 =	sand.u32 $0x4000, s20  }
0x21: {  	s20 =	simm.s32 $0x0;
	[sflag:s5] =	ssyncadd.s32 $0xFFFFC000;
	s18 =	sor.u32 $0x8000, s31  }
.LBB1_3:
0x22: {  	v0 =	vmov s19;
	_ =	sdelay $0x3  }
0x23: {  	s22 =	simm.s32 $0x0  }
0x24: {  	v6 =	vld.idx.msk [tilespmem:v0+s22+$0x30 ss:$0x1], $0xffff  }
0x25: {  	v7 =	vld.idx.msk [tilespmem:v0+s22+$0xFFFFFFC0 ss:$0x1], $0xffff  }
0x26: {  	v5 =	vld.idx.msk [tilespmem:v0+s22+$0xFFFFFFD0 ss:$0x1], $0xffff  }
0x27: {  	v4 =	vld.idx.msk [tilespmem:v0+s22+$0xFFFFFFE0 ss:$0x1], $0xffff  }
0x28: {  	v3 =	vld.idx.msk [tilespmem:v0+s22+$0xFFFFFFF0 ss:$0x1], $0xffff  }
0x29: {  	v1 =	vld.idx.msk [tilespmem:v0+s22+$0x0 ss:$0x1], $0xffff  }
0x2a: {  	v2 =	vld.idx.msk [tilespmem:v0+s22+$0x10 ss:$0x1], $0xffff;
	[tilespmem:s17+$0x30] =	vst v6  }
0x2b: {  	s21 =	simm.s32 $0x80;
	s23 =	simm.s32 $0x400;
	[tilespmem:s17+$0xFFFFFFC0] =	vst v7;
	v6 =	vld.idx.msk [tilespmem:v0+s22+$0x20 ss:$0x1], $0xffff;
	s22 =	smov.u32 s17  }
.LBB1_4:
0x2c: {  	p0 =	sne.s32 s23, $0xE00;
	v7 =	vld.idx.msk [tilespmem:v0+s21+$0x30 ss:$0x1], $0xffff;
	[tilespmem:s22+$0xFFFFFFD0] =	vst v5  }
0x2d: {  	v8 =	vld.idx.msk [tilespmem:v0+s21+$0xFFFFFFC0 ss:$0x1], $0xffff;
	[tilespmem:s22+$0xFFFFFFE0] =	vst v4  }
0x2e: {  	v5 =	vld.idx.msk [tilespmem:v0+s21+$0xFFFFFFD0 ss:$0x1], $0xffff;
	[tilespmem:s22+$0xFFFFFFF0] =	vst v3  }
.Ltmp3:
0x2f: {  	v4 =	vld.idx.msk [tilespmem:v0+s21+$0xFFFFFFE0 ss:$0x1], $0xffff;
	[tilespmem:s22+$0x0] =	vst v1;
	(pc) =	sbr.rel @p0 .LBB1_4-.Ltmp3, $4  }
0x30: {  	v3 =	vld.idx.msk [tilespmem:v0+s21+$0xFFFFFFF0 ss:$0x1], $0xffff;
	[tilespmem:s22+$0x10] =	vst v2  }
0x31: {  	v1 =	vld.idx.msk [tilespmem:v0+s21+$0x0 ss:$0x1], $0xffff;
	[tilespmem:s22+$0x20] =	vst v6;
	s22 =	sadd.s32 $0x800, s22  }
0x32: {  	v2 =	vld.idx.msk [tilespmem:v0+s21+$0x10 ss:$0x1], $0xffff;
	[tilespmem:s22+$0x30] =	vst v7  }
0x33: {  	[tilespmem:s22+$0xFFFFFFC0] =	vst v8;
	v6 =	vld.idx.msk [tilespmem:v0+s21+$0x20 ss:$0x1], $0xffff;
	s21 =	sshra.s32 s23, $0x2;
	s23 =	sadd.s32 $0x200, s23  }
0x34: {  	_ =	sdelay $0x2  }
0x35: {  	[tilespmem:s22+$0xFFFFFFD0] =	vst v5  }
0x36: {  	v56 =	vld.idx.msk [tilespmem:v0+s21+$0x30 ss:$0x1], $0xffff;
	[tilespmem:s22+$0xFFFFFFE0] =	vst v4  }
0x37: {  	v57 =	vld.idx.msk [tilespmem:v0+s21+$0xFFFFFFC0 ss:$0x1], $0xffff;
	[tilespmem:s22+$0xFFFFFFF0] =	vst v3  }
0x38: {  	v58 =	vld.idx.msk [tilespmem:v0+s21+$0xFFFFFFD0 ss:$0x1], $0xffff;
	[tilespmem:s22+$0x0] =	vst v1  }
0x39: {  	v59 =	vld.idx.msk [tilespmem:v0+s21+$0xFFFFFFE0 ss:$0x1], $0xffff;
	[tilespmem:s22+$0x10] =	vst v2  }
0x3a: {  	v60 =	vld.idx.msk [tilespmem:v0+s21+$0xFFFFFFF0 ss:$0x1], $0xffff;
	s31 =	sadd.s32 $0x800, s22;
	[tilespmem:s22+$0x20] =	vst v6  }
0x3b: {  	v61 =	vld.idx.msk [tilespmem:v0+s21+$0x0 ss:$0x1], $0xffff;
	[tilespmem:s31+$0x30] =	vst v56  }
0x3c: {  	v62 =	vld.idx.msk [tilespmem:v0+s21+$0x10 ss:$0x1], $0xffff;
	s20 =	sadd.s32 $0x1, s20;
	[tilespmem:s31+$0xFFFFFFC0] =	vst v57  }
0x3d: {  	v63 =	vld.idx.msk [tilespmem:v0+s21+$0x20 ss:$0x1], $0xffff;
	p0 =	sne.s32 s20, $0x10;
	[tilespmem:s31+$0xFFFFFFD0] =	vst v58  }
.Ltmp4:
0x3e: {  	[tilespmem:s31+$0xFFFFFFE0] =	vst v59;
	(pc) =	sbr.rel @p0 .LBB1_3-.Ltmp4, $4  }
0x3f: {  	[tilespmem:s31+$0xFFFFFFF0] =	vst v60  }
0x40: {  	[tilespmem:s31+$0x0] =	vst v61  }
0x41: {  	[tilespmem:s31+$0x10] =	vst v62  }
0x42: {  	s17 =	sadd.s32 $0x80, s17;
	s19 =	sadd.s32 $0x400, s19;
	[tilespmem:s31+$0x20] =	vst v63  }
.Ltmp5:
0x43: {  	(pc) =	sbr.rel .LBB1_7-.Ltmp5, $4  }
0x44: {  	s16 =	sshll.u32 s16, $0x12;
	s15 =	sshll.u32 s15, $0x4  }
0x45: {  	s15 =	sand.u32 $0x7FF0, s15;
	s16 =	sadd.s32 s4, s16  }
0x46: {  	s15 =	sadd.s32 s15, s16  }
0x47: {  	[hbm4b:s15+s9] =	stream.strided.scatter [tilespmem:s18], [sflag:$0x2], $0x4000, s10, s9, $0x38;
	[tilespmem:$0x10000] =	vst v63  }
.LBB1_8:
0x48: {  	_ =	sfence.sel $0x180000  }
0x49: {  	s2 =	simm.s32 $0x1;
	[bflag:$0x0] =	sbarrier.arrive $0xFFFF  }
0x4a: {  	s31 =	simm.s32 $0x2;
	[sflag:s2] =	ssyncpa.u1 $0x1  }
0x4b: {  	[sflag:s31] =	ssyncpa.u1 $0x1  }
0x4c: {  	p0 =	sne.s32 s0, $0x0;
	_ =	strace $0x9000004A  }
0x4d: {  	s0 =	sadd.s32 @!p0 $0x100000, s1;
	[bflag:$0x2] =	sbarrier.arrive $0xFFFF  }
0x4e: {  	[sflag:s0] =	ssyncadd.tile.s32 @!p0 $0x1;
	_ =	shalt  }
.Lfunc_end1:
_tile_overlayer_lowered:
.L_overlay_start_2:
0x4f: {  	(tag) =	ssettag $0x2  }
0x50: {  	s0 =	rddreg [dreg:$0x0];
	s2 =	stileid.u32  }
0x51: {  	s1 =	rddreg [dreg:$0x1];
	p0 =	sne.s32 s2, $0x0  }
0x52: {  	s3 =	rddreg [dreg:$0x2];
	[bflag:$0x3] =	sbarrier.arrive $0xFFFF;
	s2 =	simm.s32 @!p0 $0x1C01  }
0x53: {  	[timem:s3], [sflag:s2] =	dma.local @!p0 [hbm:s0], s1  }
0x54: {  	s0 =	simm.s32 @!p0 $0x1  }
0x55: {  	_ =	swait.ge @!p0 [sflag:s0], s1  }
0x56: {  	s1 =	ssub.s32 @!p0 $0x0, s1;
	[sflag:s0] =	ssyncset.done @!p0 $0x0  }
0x57: {  	[sflag:s0] =	ssyncadd.s32 @!p0 s1  }
0x58: {  	[bflag:$0x3] =	sbarrier.arrive $0xFFFF  }
0x59: {  	_ =	shalt  }

// kernel: sparse-core-data-format-call.2.cloned.1.call-start
scs
called_computation.2_lowered:
.L_overlay_start_0:
0x0: {  	s2 =	sld [smem:$0x3FD9]  }
0x1: {  	s3 =	sld [smem:$0x3FFE];
	_ =	sdelay $0x1  }
0x2: {  	s1 =	srdreg.scid  }
0x3: {  	s0 =	sand.u32 $0x1, s1  }
0x4: {  	s18 =	sshll.u32 s0, $0xA;
	s2 =	sadd.s32 s3, s2  }
0x5: {  	s2 =	sadd.s32 s2, s18  }
0x6: {  	[smem:$0x3FC6] =	sst s2  }
0x7: {  	_ = 	snop  }
0x8: {  	s2 =	sld [smem:$0x3FC9];
	(tm) =	ssettm $0x1  }
0x9: {  	s19 =	sld [smem:$0x3FFB];
	_ =	sdelay $0x3  }
0xa: {  	_ =	strace s19  }
0xb: {  	s3 =	sld [smem:$0x3FFC];
	_ =	sdelay $0x3  }
0xc: {  	_ =	strace s3  }
0xd: {  	s3 =	sld [smem:$0x3FFD];
	_ =	sdelay $0x3  }
0xe: {  	_ =	strace s3  }
0xf: {  	_ =	strace $0x8FFFFFFF  }
0x10: {  	s20 =	sld [smem:$0x3FDB];
	_ =	sdelay $0x1  }
0x11: {  	s4 =	simm.s32 $_scs_section_size  }
0x12: {  	s5 =	simm.s32 $_size__tile_overlayer_lowered;
	s6 =	simm.s32 $_tile_overlayer_lowered  }
0x13: {  	s23 =	simm.s32 $0x1BFF;
	s22 =	sshll.u32 s6, $0x1;
	s3 =	sadd.s32 s4, s20  }
0x14: {  	s7 =	simm.s32 $0x0;
	s21 =	sshll.u32 s5, $0x1;
	s5 =	sadd.s32 s22, s3  }
0x15: {  	[timem:s7], [sflag:s23] =	dma.local [hbm:s5], s21  }
0x16: {  	_ =	swait.ge [sflag:s23], s21  }
0x17: {  	s4 =	ssub.s32 $0x0, s21;
	[sflag:s23] =	ssyncset.done $0x0  }
0x18: {  	[sflag:s23] =	ssyncadd.s32 s4;
	_ =	sdelay $0x1  }
0x19: {  	s24 =	simm.s32 $0x1B8B  }
0x1a: {  	_ =	swait.ge [sflag:s24], $0x1  }
0x1b: {  	[sflag:s24] =	ssyncset.done $0x0  }
0x1c: {  	s26 =	simm.s32 $0x1B8E;
	s25 =	sld [smem:$0x3FFE];
	[sflag:s24] =	ssyncadd.s32 $0xFFFFFFFF  }
0x1d: {  	s27 =	simm.s32 $execute0_lowered;
	[smem:$0x3FD2] =	sst s26  }
0x1e: {  	s5 =	sshll.u32 s27, $0x1;
	_ =	strace $0x80000046;
	[dreg:$0x1] =	wrdreg $0xFFFFFFFF  }
0x1f: {  	s28 =	simm.s32 $_size_execute0_lowered;
	s3 =	sadd.s32 s3, s5;
	[dreg:$0x0] =	wrdreg $0x0  }
0x20: {  	s5 =	sshll.u32 s28, $0x1;
	[dreg:$0x2] =	wrdreg s3  }
0x21: {  	[dreg:$0x3] =	wrdreg s5  }
0x22: {  	[dreg:$0x4] =	wrdreg $0xC0  }
0x23: {  	_ =	task [dreg:s7], $0x5FFFF  }
0x24: {  	[dreg:$0x1] =	wrdreg $0xFFFFFFFF  }
0x25: {  	[dreg:$0x0] =	wrdreg $0x60  }
0x26: {  	[dreg:$0x2] =	wrdreg s2  }
0x27: {  	[dreg:$0x3] =	wrdreg s25  }
0x28: {  	[dreg:$0x4] =	wrdreg $0xA  }
0x29: {  	_ =	task.clear_ibuf [dreg:s7], $0x5FFFF;
	_ =	strace $0x90000046  }
0x2a: {  	s29 =	simm.s32 $0xA;
	_ =	strace $0x80000048  }
0x2b: {  	_ =	swait.ge [sflag:s29], $0x1  }
0x2c: {  	[sflag:s29] =	ssyncadd.s32 $0xFFFFFFFF  }
0x2d: {  	_ =	strace $0x90000048  }
0x2e: {  	_ =	sfence  }
0x2f: {  	s30 =	sld [smem:$0x0];
	_ =	sdelay $0x2  }
0x30: {  	s31 =	sshll.u32 s1, $0xD;
	s1 =	sshrl.u32 s1, $0x2  }
0x31: {  	s3 =	sand.u32 $0x4000, s31;
	s1 =	sadd.s32 s1, s30  }
0x32: {  	s0 =	sor.u32 s3, s0;
	s1 =	sshll.u32 s1, $0x11  }
0x33: {  	s0 =	sor.u32 s1, s0  }
0x34: {  	s0 =	sadd.s32 $0x8F2B, s0  }
0x35: {  	[sflag:s0] =	ssyncadd.remote.s32 $0x1  }
0x36: {  	_ =	sfence.sel $0xFFFF  }
0x37: {  	[dreg:$0x0] =	wrdreg $0xFFFFFFFF;
	(pc) =	sbr.abs _section_cstart, $3  }
0x38: {  	[dreg:$0x1] =	wrdreg $0xFFFFFFFF  }
0x39: {  	_ =	task.clear_ibuf [dreg:s7], $0x2FFFF;
	_ =	strace $0x9FFFFFFF  }
0x3a: {  	(tm) =	ssettm $0x7FFFFFFF  }
0x3b: {  	_ =	shalt  }
tec
execute0_lowered:
.L_overlay_start_1:
0x0: {  	(tag) =	ssettag $0x1  }
0x1: {  	s0 =	stileid.u32  }
0x2: {  	s1 =	srdreg.scid;
	s2 =	rddreg [dreg:$0x0]  }
0x3: {  	s4 =	rddreg [dreg:$0x1];
	s7 =	simm.s32 $0x1;
	s8 =	simm.s32 $0x2  }
0x4: {  	s15 =	simm.s32 $0x0;
	s3 =	sshll.u32 s0, $0x2;
	s1 =	sshll.u32 s1, $0x6  }
0x5: {  	s9 =	simm.s32 $0x800;
	s10 =	simm.s32 $0x40000;
	s1 =	sor.u32 s3, s1  }
0x6: {  	s11 =	simm.s32 $0x0;
	s16 =	simm.s32 $0x0;
	s3 =	sand.u32 $0x70, s1  }
0x7: {  	s14 =	simm.s32 $0x0;
	s4 =	sadd.s32 $0xC00, s4;
	s6 =	ssub.s32 $0x800, s3  }
.Ltmp0:
0x8: {  	s1 =	rddreg [dreg:$0x2];
	s5 =	sand.u32 $0x70, s6;
	(pc) =	sbr.rel .LBB1_1-.Ltmp0, $4  }
0x9: {  	_ =	strace $0x80000047;
	s12 =	smov.u32 s3;
	p0 =	sne.s32 s5, $0x0  }
0xa: {  	s6 =	sshrl.u32 s6, $0x7;
	s5 =	simm.s32 $0x1;
	s7 =	simm.s32 @!p0 $0x0  }
0xb: {  	[sflag:s5] =	ssyncpa.u1 $0x0;
	s6 =	sadd.s32 s7, s6;
	s7 =	sand.u32 $0x3, s0  }
0xc: {  	[sflag:s8] =	ssyncpa.u1 $0x0;
	s8 =	sadd.s32 $0x1, s6;
	s13 =	smov.u32 s7  }
.LBB1_7:
0xd: {  	s17 =	sadd.s32 $0x80, s12  }
0xe: {  	s15 =	sadd.s32 $0x4, s13;
	s19 =	smov.u32 s13;
	p1 =	sgt.s32 s17, $0x7FF  }
0xf: {  	s19 =	smov.u32 @p1 s15  }
0x10: {  	s17 =	smov.u32 @p1 s3;
	p1 =	sgt.s32 s19, $0x3  }
0x11: {  	s19 =	smov.u32 @p1 s7;
	p1 =	sne.s32 s14, s8  }
.Ltmp1:
0x12: {  	p0 =	slt.u32 s14, $0x2;
	(pc) =	sbr.rel @!p1 .LBB1_8-.Ltmp1, $4  }
0x13: {  	s18 =	simm.s32 @!p0 $0x2  }
0x14: {  	s16 =	smov.u32 s13;
	s11 =	sadd.s32 $0x4000, s11;
	_ =	swait.ge @!p0 [sflag:s18], $0x4000  }
0x15: {  	s15 =	smov.u32 s12;
	[sflag:s18] =	ssyncset.done @!p0 $0x0;
	s12 =	smov.u32 s17  }
0x16: {  	s14 =	sadd.s32 $0x1, s14;
	[sflag:s18] =	ssyncadd.s32 @!p0 $0xFFFFC000;
	s13 =	smov.u32 s19  }
.LBB1_1:
0x17: {  	p0 =	sge.u32 s14, s6  }
0x18: {  	s31 =	sadd.s32 $0xFFFFFFFF, s14;
	s17 =	sxor.u32 @!p0 $0xFFFFFFFF, s14;
	s18 =	sshll.u32 @!p0 s13, $0x12  }
0x19: {  	s19 =	sshll.u32 @!p0 s12, $0x7;
	s17 =	sshll.u32 @!p0 s17, $0xE;
	s18 =	sadd.s32 @!p0 s2, s18  }
0x1a: {  	s17 =	sand.u32 @!p0 $0x4000, s17;
	s18 =	sadd.s32 @!p0 s19, s18;
	s19 =	simm.s32 @!p0 $0x0  }
0x1b: {  	[tilespmem:s17], [sflag:$0x1] =	stream.linear.gather @!p0 [hbm4b:s18+s19], $0x4000, $0x38;
	[tilespmem:$0x10000] =	vst v63  }
0x1c: {  	p0 =	sge.u32 s31, s6  }
.Ltmp2:
0x1d: {  	_ = 	snop;
	(pc) =	sbr.rel @p0 .LBB1_7-.Ltmp2, $1  }
0x1e: {  	_ =	sdelay $0x3  }
0x1f: {  	s18 =	sand.u32 $0x4000, s11  }
0x20: {  	_ =	swait.ge [sflag:s5], $0x4000;
	s20 =	sshll.u32 s14, $0xE;
	s17 =	sor.u32 $0x8040, s18  }
0x21: {  	s19 =	sor.u32 $0x40, s18;
	[sflag:s5] =	ssyncset.done $0x0;
	s31 =	sand.u32 $0x4000, s20  }
0x22: {  	s20 =	simm.s32 $0x0;
	[sflag:s5] =	ssyncadd.s32 $0xFFFFC000;
	s18 =	sor.u32 $0x8000, s31  }
.LBB1_3:
0x23: {  	v0 =	vmov s19;
	_ =	sdelay $0x3  }
0x24: {  	s22 =	simm.s32 $0x0  }
0x25: {  	v6 =	vld.idx.msk [tilespmem:v0+s22+$0x30 ss:$0x1], $0xffff  }
0x26: {  	v7 =	vld.idx.msk [tilespmem:v0+s22+$0xFFFFFFC0 ss:$0x1], $0xffff  }
0x27: {  	v5 =	vld.idx.msk [tilespmem:v0+s22+$0xFFFFFFD0 ss:$0x1], $0xffff  }
0x28: {  	v4 =	vld.idx.msk [tilespmem:v0+s22+$0xFFFFFFE0 ss:$0x1], $0xffff  }
0x29: {  	v3 =	vld.idx.msk [tilespmem:v0+s22+$0xFFFFFFF0 ss:$0x1], $0xffff  }
0x2a: {  	v1 =	vld.idx.msk [tilespmem:v0+s22+$0x0 ss:$0x1], $0xffff  }
0x2b: {  	v2 =	vld.idx.msk [tilespmem:v0+s22+$0x10 ss:$0x1], $0xffff;
	[tilespmem:s17+$0x30] =	vst v6  }
0x2c: {  	s21 =	simm.s32 $0x80;
	s23 =	simm.s32 $0x400;
	[tilespmem:s17+$0xFFFFFFC0] =	vst v7;
	v6 =	vld.idx.msk [tilespmem:v0+s22+$0x20 ss:$0x1], $0xffff;
	s22 =	smov.u32 s17  }
.LBB1_4:
0x2d: {  	p0 =	sne.s32 s23, $0xE00;
	v7 =	vld.idx.msk [tilespmem:v0+s21+$0x30 ss:$0x1], $0xffff;
	[tilespmem:s22+$0xFFFFFFD0] =	vst v5  }
0x2e: {  	v8 =	vld.idx.msk [tilespmem:v0+s21+$0xFFFFFFC0 ss:$0x1], $0xffff;
	[tilespmem:s22+$0xFFFFFFE0] =	vst v4  }
0x2f: {  	v5 =	vld.idx.msk [tilespmem:v0+s21+$0xFFFFFFD0 ss:$0x1], $0xffff;
	[tilespmem:s22+$0xFFFFFFF0] =	vst v3  }
.Ltmp3:
0x30: {  	v4 =	vld.idx.msk [tilespmem:v0+s21+$0xFFFFFFE0 ss:$0x1], $0xffff;
	[tilespmem:s22+$0x0] =	vst v1;
	(pc) =	sbr.rel @p0 .LBB1_4-.Ltmp3, $4  }
0x31: {  	v3 =	vld.idx.msk [tilespmem:v0+s21+$0xFFFFFFF0 ss:$0x1], $0xffff;
	[tilespmem:s22+$0x10] =	vst v2  }
0x32: {  	v1 =	vld.idx.msk [tilespmem:v0+s21+$0x0 ss:$0x1], $0xffff;
	[tilespmem:s22+$0x20] =	vst v6;
	s22 =	sadd.s32 $0x800, s22  }
0x33: {  	v2 =	vld.idx.msk [tilespmem:v0+s21+$0x10 ss:$0x1], $0xffff;
	[tilespmem:s22+$0x30] =	vst v7  }
0x34: {  	[tilespmem:s22+$0xFFFFFFC0] =	vst v8;
	v6 =	vld.idx.msk [tilespmem:v0+s21+$0x20 ss:$0x1], $0xffff;
	s21 =	sshra.s32 s23, $0x2;
	s23 =	sadd.s32 $0x200, s23  }
0x35: {  	_ =	sdelay $0x2  }
0x36: {  	[tilespmem:s22+$0xFFFFFFD0] =	vst v5  }
0x37: {  	v56 =	vld.idx.msk [tilespmem:v0+s21+$0x30 ss:$0x1], $0xffff;
	[tilespmem:s22+$0xFFFFFFE0] =	vst v4  }
0x38: {  	v57 =	vld.idx.msk [tilespmem:v0+s21+$0xFFFFFFC0 ss:$0x1], $0xffff;
	[tilespmem:s22+$0xFFFFFFF0] =	vst v3  }
0x39: {  	v58 =	vld.idx.msk [tilespmem:v0+s21+$0xFFFFFFD0 ss:$0x1], $0xffff;
	[tilespmem:s22+$0x0] =	vst v1  }
0x3a: {  	v59 =	vld.idx.msk [tilespmem:v0+s21+$0xFFFFFFE0 ss:$0x1], $0xffff;
	[tilespmem:s22+$0x10] =	vst v2  }
0x3b: {  	v60 =	vld.idx.msk [tilespmem:v0+s21+$0xFFFFFFF0 ss:$0x1], $0xffff;
	s31 =	sadd.s32 $0x800, s22;
	[tilespmem:s22+$0x20] =	vst v6  }
0x3c: {  	v61 =	vld.idx.msk [tilespmem:v0+s21+$0x0 ss:$0x1], $0xffff;
	[tilespmem:s31+$0x30] =	vst v56  }
0x3d: {  	v62 =	vld.idx.msk [tilespmem:v0+s21+$0x10 ss:$0x1], $0xffff;
	s20 =	sadd.s32 $0x1, s20;
	[tilespmem:s31+$0xFFFFFFC0] =	vst v57  }
0x3e: {  	v63 =	vld.idx.msk [tilespmem:v0+s21+$0x20 ss:$0x1], $0xffff;
	p0 =	sne.s32 s20, $0x10;
	[tilespmem:s31+$0xFFFFFFD0] =	vst v58  }
.Ltmp4:
0x3f: {  	[tilespmem:s31+$0xFFFFFFE0] =	vst v59;
	(pc) =	sbr.rel @p0 .LBB1_3-.Ltmp4, $4  }
0x40: {  	[tilespmem:s31+$0xFFFFFFF0] =	vst v60  }
0x41: {  	[tilespmem:s31+$0x0] =	vst v61  }
0x42: {  	[tilespmem:s31+$0x10] =	vst v62  }
0x43: {  	s17 =	sadd.s32 $0x80, s17;
	s19 =	sadd.s32 $0x400, s19;
	[tilespmem:s31+$0x20] =	vst v63  }
.Ltmp5:
0x44: {  	(pc) =	sbr.rel .LBB1_7-.Ltmp5, $4  }
0x45: {  	s16 =	sshll.u32 s16, $0x12;
	s15 =	sshll.u32 s15, $0x4  }
0x46: {  	s15 =	sand.u32 $0x7FF0, s15;
	s16 =	sadd.s32 s4, s16  }
0x47: {  	s15 =	sadd.s32 s15, s16  }
0x48: {  	[hbm4b:s15+s9] =	stream.strided.scatter [tilespmem:s18], [sflag:$0x2], $0x4000, s10, s9, $0x38;
	[tilespmem:$0x10000] =	vst v63  }
.LBB1_8:
0x49: {  	_ =	sfence.sel $0x180000  }
0x4a: {  	s2 =	simm.s32 $0x1;
	[bflag:$0x0] =	sbarrier.arrive $0xFFFF  }
0x4b: {  	s31 =	simm.s32 $0x2;
	[sflag:s2] =	ssyncpa.u1 $0x1  }
0x4c: {  	[sflag:s31] =	ssyncpa.u1 $0x1  }
0x4d: {  	p0 =	sne.s32 s0, $0x0;
	_ =	strace $0x90000047  }
0x4e: {  	s0 =	sadd.s32 @!p0 $0x100000, s1;
	[bflag:$0x2] =	sbarrier.arrive $0xFFFF  }
0x4f: {  	[sflag:s0] =	ssyncadd.tile.s32 @!p0 $0x1;
	_ =	shalt  }
.Lfunc_end1:
_tile_overlayer_lowered:
.L_overlay_start_2:
0x50: {  	(tag) =	ssettag $0x2  }
0x51: {  	s0 =	rddreg [dreg:$0x0];
	s2 =	stileid.u32  }
0x52: {  	s1 =	rddreg [dreg:$0x1];
	p0 =	sne.s32 s2, $0x0  }
0x53: {  	s3 =	rddreg [dreg:$0x2];
	[bflag:$0x3] =	sbarrier.arrive $0xFFFF;
	s2 =	simm.s32 @!p0 $0x1C01  }
0x54: {  	[timem:s3], [sflag:s2] =	dma.local @!p0 [hbm:s0], s1  }
0x55: {  	s0 =	simm.s32 @!p0 $0x1  }
0x56: {  	_ =	swait.ge @!p0 [sflag:s0], s1  }
0x57: {  	s1 =	ssub.s32 @!p0 $0x0, s1;
	[sflag:s0] =	ssyncset.done @!p0 $0x0  }
0x58: {  	[sflag:s0] =	ssyncadd.s32 @!p0 s1  }
0x59: {  	[bflag:$0x3] =	sbarrier.arrive $0xFFFF  }
0x5a: {  	_ =	shalt  }

// kernel: sparse-core-data-format-call.cloned.1.call-start
scs
called_computation_lowered:
.L_overlay_start_0:
0x0: {  	s2 =	sld [smem:$0x3FD9]  }
0x1: {  	s3 =	sld [smem:$0x3FFE];
	_ =	sdelay $0x1  }
0x2: {  	s1 =	srdreg.scid  }
0x3: {  	s0 =	sand.u32 $0x1, s1  }
0x4: {  	s18 =	sshll.u32 s0, $0xA;
	s2 =	sadd.s32 s3, s2  }
0x5: {  	s2 =	sadd.s32 s2, s18  }
0x6: {  	[smem:$0x3FC6] =	sst s2  }
0x7: {  	_ = 	snop  }
0x8: {  	s2 =	sld [smem:$0x3FD0];
	(tm) =	ssettm $0x1  }
0x9: {  	s19 =	sld [smem:$0x3FFB];
	_ =	sdelay $0x3  }
0xa: {  	_ =	strace s19  }
0xb: {  	s3 =	sld [smem:$0x3FFC];
	_ =	sdelay $0x3  }
0xc: {  	_ =	strace s3  }
0xd: {  	s3 =	sld [smem:$0x3FFD];
	_ =	sdelay $0x3  }
0xe: {  	_ =	strace s3  }
0xf: {  	_ =	strace $0x8FFFFFFF  }
0x10: {  	s20 =	sld [smem:$0x3FDB];
	_ =	sdelay $0x1  }
0x11: {  	s4 =	simm.s32 $_scs_section_size  }
0x12: {  	s5 =	simm.s32 $_size__tile_overlayer_lowered;
	s6 =	simm.s32 $_tile_overlayer_lowered  }
0x13: {  	s23 =	simm.s32 $0x1BFF;
	s22 =	sshll.u32 s6, $0x1;
	s3 =	sadd.s32 s4, s20  }
0x14: {  	s7 =	simm.s32 $0x0;
	s21 =	sshll.u32 s5, $0x1;
	s5 =	sadd.s32 s22, s3  }
0x15: {  	[timem:s7], [sflag:s23] =	dma.local [hbm:s5], s21  }
0x16: {  	_ =	swait.ge [sflag:s23], s21  }
0x17: {  	s4 =	ssub.s32 $0x0, s21;
	[sflag:s23] =	ssyncset.done $0x0  }
0x18: {  	[sflag:s23] =	ssyncadd.s32 s4;
	_ =	sdelay $0x1  }
0x19: {  	s24 =	simm.s32 $0x1B8B  }
0x1a: {  	_ =	swait.ge [sflag:s24], $0x1  }
0x1b: {  	[sflag:s24] =	ssyncset.done $0x0  }
0x1c: {  	s26 =	simm.s32 $0x1B8E;
	s25 =	sld [smem:$0x3FFE];
	[sflag:s24] =	ssyncadd.s32 $0xFFFFFFFF  }
0x1d: {  	s27 =	simm.s32 $execute0_lowered;
	[smem:$0x3FD2] =	sst s26  }
0x1e: {  	s5 =	sshll.u32 s27, $0x1;
	_ =	strace $0x8000004C;
	[dreg:$0x1] =	wrdreg $0xFFFFFFFF  }
0x1f: {  	s28 =	simm.s32 $_size_execute0_lowered;
	s3 =	sadd.s32 s3, s5;
	[dreg:$0x0] =	wrdreg $0x0  }
0x20: {  	s5 =	sshll.u32 s28, $0x1;
	[dreg:$0x2] =	wrdreg s3  }
0x21: {  	[dreg:$0x3] =	wrdreg s5  }
0x22: {  	[dreg:$0x4] =	wrdreg $0xC0  }
0x23: {  	_ =	task [dreg:s7], $0x5FFFF  }
0x24: {  	[dreg:$0x1] =	wrdreg $0xFFFFFFFF  }
0x25: {  	[dreg:$0x0] =	wrdreg $0x60  }
0x26: {  	[dreg:$0x2] =	wrdreg s25  }
0x27: {  	[dreg:$0x3] =	wrdreg s2  }
0x28: {  	[dreg:$0x4] =	wrdreg $0x9  }
0x29: {  	_ =	task.clear_ibuf [dreg:s7], $0x5FFFF;
	_ =	strace $0x9000004C  }
0x2a: {  	s29 =	simm.s32 $0x9;
	_ =	strace $0x8000004E  }
0x2b: {  	_ =	swait.ge [sflag:s29], $0x1  }
0x2c: {  	[sflag:s29] =	ssyncadd.s32 $0xFFFFFFFF  }
0x2d: {  	_ =	strace $0x9000004E  }
0x2e: {  	_ =	sfence  }
0x2f: {  	s30 =	sld [smem:$0x0];
	_ =	sdelay $0x2  }
0x30: {  	s31 =	sshll.u32 s1, $0xD;
	s1 =	sshrl.u32 s1, $0x2  }
0x31: {  	s3 =	sand.u32 $0x4000, s31;
	s1 =	sadd.s32 s1, s30  }
0x32: {  	s0 =	sor.u32 s3, s0;
	s1 =	sshll.u32 s1, $0x11  }
0x33: {  	s0 =	sor.u32 s1, s0  }
0x34: {  	s0 =	sadd.s32 $0x8F2B, s0  }
0x35: {  	[sflag:s0] =	ssyncadd.remote.s32 $0x1  }
0x36: {  	_ =	sfence.sel $0xFFFF  }
0x37: {  	[dreg:$0x0] =	wrdreg $0xFFFFFFFF;
	(pc) =	sbr.abs _section_cstart, $3  }
0x38: {  	[dreg:$0x1] =	wrdreg $0xFFFFFFFF  }
0x39: {  	_ =	task.clear_ibuf [dreg:s7], $0x2FFFF;
	_ =	strace $0x9FFFFFFF  }
0x3a: {  	(tm) =	ssettm $0x7FFFFFFF  }
0x3b: {  	_ =	shalt  }
tec
execute0_lowered:
.L_overlay_start_1:
0x0: {  	(tag) =	ssettag $0x1  }
0x1: {  	s1 =	rddreg [dreg:$0x0]  }
0x2: {  	s2 =	rddreg [dreg:$0x1]  }
0x3: {  	s0 =	rddreg [dreg:$0x2]  }
0x4: {  	s3 =	srdreg.scid;
	_ =	strace $0x8000004D;
	s5 =	simm.s32 $0x1  }
0x5: {  	s7 =	simm.s32 $0x2;
	s13 =	simm.s32 $0x0;
	p0 =	por $0x0, $0x0  }
0x6: {  	s8 =	simm.s32 $0x400;
	s14 =	simm.s32 $0x0;
	s15 =	simm.s32 $0x0  }
.Ltmp0:
0x7: {  	s10 =	simm.s32 $0x0;
	s4 =	sshll.u32 s3, $0x4;
	(pc) =	sbr.rel .LBB1_1-.Ltmp0, $4  }
0x8: {  	s3 =	sadd.s32 $0x100C00, s1;
	s1 =	stileid.u32;
	s4 =	sand.u32 $0x10, s4  }
0x9: {  	s9 =	simm.s32 $0x0;
	[sflag:s5] =	ssyncpa.u1 $0x0;
	s6 =	sor.u32 s1, s4  }
0xa: {  	[sflag:s7] =	ssyncpa.u1 $0x0;
	s4 =	sand.u32 $0x3, s1;
	s6 =	sshrl.u32 s6, $0x2  }
0xb: {  	s7 =	simm.s32 $0x80;
	s12 =	smov.u32 s4;
	s11 =	smov.u32 s6  }
.LBB1_5:
0xc: {  	s16 =	sadd.s32 $0x80, s10  }
0xd: {  	s13 =	sadd.s32 $0x8, s11;
	s17 =	smov.u32 s11;
	p2 =	sgt.s32 s16, $0x7FF  }
0xe: {  	s17 =	smov.u32 @p2 s13  }
0xf: {  	s19 =	smov.u32 s12;
	s13 =	sadd.s32 $0x4, s12;
	p3 =	sgt.s32 s17, $0x7  }
0x10: {  	p1 =	slt.u32 s9, $0x2;
	s19 =	smov.u32 @p3 s13  }
0x11: {  	s9 =	sadd.s32 $0x1, s9;
	s16 =	simm.s32 @p2 $0x0;
	p2 =	sgt.s32 s19, $0x3  }
0x12: {  	s19 =	smov.u32 @p2 s4;
	p2 =	sne.s32 s9, $0x12  }
.Ltmp1:
0x13: {  	s18 =	simm.s32 @!p1 $0x2;
	(pc) =	sbr.rel @!p2 .LBB1_6-.Ltmp1, $4  }
0x14: {  	s14 =	smov.u32 s11;
	_ =	swait.ge @!p1 [sflag:s18], $0x4000  }
0x15: {  	s15 =	smov.u32 s12;
	p0 =	por !p0, !p0;
	[sflag:s18] =	ssyncset.done @!p1 $0x0  }
0x16: {  	s17 =	smov.u32 @p3 s6;
	s13 =	smov.u32 s10;
	[sflag:s18] =	ssyncadd.s32 @!p1 $0xFFFFC000  }
0x17: {  	s10 =	smov.u32 s16;
	s11 =	smov.u32 s17;
	s12 =	smov.u32 s19  }
.LBB1_1:
0x18: {  	p1 =	sgt.u32 s9, $0xF  }
0x19: {  	s16 =	sxor.u32 @!p1 $0xFFFFFFFF, s9;
	s17 =	sshll.u32 @!p1 s12, $0x12  }
0x1a: {  	s18 =	sshll.u32 @!p1 s11, $0xF;
	s19 =	sshll.u32 @!p1 s10, $0x4;
	s17 =	sadd.s32 @!p1 s3, s17  }
0x1b: {  	s16 =	sshll.u32 @!p1 s16, $0xE;
	s19 =	sand.u32 @!p1 $0x7FF0, s19;
	s17 =	sadd.s32 @!p1 s18, s17  }
0x1c: {  	s16 =	sand.u32 @!p1 $0x4000, s16;
	s18 =	simm.s32 @!p1 $0x0;
	s17 =	sadd.s32 @!p1 s19, s17  }
0x1d: {  	[tilespmem:s16], [sflag:$0x1] =	stream.linear.gather @!p1 [hbm4b:s17+s18], $0x4000, $0x38;
	[tilespmem:$0x10000] =	vst v63  }
0x1e: {  	p1 =	seq.s32 s9, $0x0  }
0x1f: {  	p2 =	seq.s32 @!p1 s9, $0x11  }
0x20: {  	p1 =	por p1, p2  }
.Ltmp2:
0x21: {  	_ = 	snop;
	(pc) =	sbr.rel @p1 .LBB1_5-.Ltmp2, $1  }
0x22: {  	_ =	sdelay $0x3  }
0x23: {  	s16 =	simm.s32 $0x1  }
0x24: {  	s16 =	simm.s32 @!p0 $0x0  }
0x25: {  	s16 =	sshll.u32 s16, $0xE  }
0x26: {  	s17 =	sor.u32 $0x40, s16  }
0x27: {  	v1 =	vmov s17;
	_ =	sdelay $0x1  }
0x28: {  	_ =	swait.ge [sflag:s5], $0x4000  }
0x29: {  	[sflag:s5] =	ssyncset.done $0x0  }
0x2a: {  	[sflag:s5] =	ssyncadd.s32 $0xFFFFC000;
	s17 =	simm.s32 $0x0  }
0x2b: {  	s16 =	sor.u32 $0x8070, s16;
	v7 =	vld.idx.msk [tilespmem:v1+s17+$0x30 ss:$0x1], $0xffff  }
0x2c: {  	v0 =	vmov s16;
	v8 =	vld.idx.msk [tilespmem:v1+s17+$0xFFFFFFC0 ss:$0x1], $0xffff  }
0x2d: {  	v6 =	vld.idx.msk [tilespmem:v1+s17+$0xFFFFFFD0 ss:$0x1], $0xffff  }
0x2e: {  	v4 =	vld.idx.msk [tilespmem:v1+s17+$0xFFFFFFE0 ss:$0x1], $0xffff  }
0x2f: {  	v2 =	vld.idx.msk [tilespmem:v1+s17+$0xFFFFFFF0 ss:$0x1], $0xffff  }
0x30: {  	s31 =	sshll.u32 s9, $0xE;
	v3 =	vld.idx.msk [tilespmem:v1+s17+$0x0 ss:$0x1], $0xffff  }
0x31: {  	s16 =	sand.u32 $0x4000, s31;
	v5 =	vld.idx.msk [tilespmem:v1+s17+$0x10 ss:$0x1], $0xffff;
	[tilespmem:v0+s17+$0x0 ss:$0x1] =	vst.idx.msk $0xffff, v7  }
0x32: {  	s18 =	simm.s32 $0x80;
	s19 =	simm.s32 $0x400;
	s16 =	sor.u32 $0x8000, s16;
	[tilespmem:v0+s17+$0xFFFFFF90 ss:$0x1] =	vst.idx.msk $0xffff, v8;
	v7 =	vld.idx.msk [tilespmem:v1+s17+$0x20 ss:$0x1], $0xffff  }
.LBB1_3:
0x33: {  	p1 =	sne.s32 s19, $0xFE00;
	v8 =	vld.idx.msk [tilespmem:v1+s18+$0x30 ss:$0x1], $0xffff;
	[tilespmem:v0+s17+$0xFFFFFFA0 ss:$0x1] =	vst.idx.msk $0xffff, v6  }
0x34: {  	v9 =	vld.idx.msk [tilespmem:v1+s18+$0xFFFFFFC0 ss:$0x1], $0xffff;
	[tilespmem:v0+s17+$0xFFFFFFB0 ss:$0x1] =	vst.idx.msk $0xffff, v4  }
0x35: {  	v6 =	vld.idx.msk [tilespmem:v1+s18+$0xFFFFFFD0 ss:$0x1], $0xffff;
	[tilespmem:v0+s17+$0xFFFFFFC0 ss:$0x1] =	vst.idx.msk $0xffff, v2  }
.Ltmp3:
0x36: {  	v4 =	vld.idx.msk [tilespmem:v1+s18+$0xFFFFFFE0 ss:$0x1], $0xffff;
	[tilespmem:v0+s17+$0xFFFFFFD0 ss:$0x1] =	vst.idx.msk $0xffff, v3;
	(pc) =	sbr.rel @p1 .LBB1_3-.Ltmp3, $4  }
0x37: {  	v2 =	vld.idx.msk [tilespmem:v1+s18+$0xFFFFFFF0 ss:$0x1], $0xffff;
	[tilespmem:v0+s17+$0xFFFFFFE0 ss:$0x1] =	vst.idx.msk $0xffff, v5  }
0x38: {  	v3 =	vld.idx.msk [tilespmem:v1+s18+$0x0 ss:$0x1], $0xffff;
	[tilespmem:v0+s17+$0xFFFFFFF0 ss:$0x1] =	vst.idx.msk $0xffff, v7;
	s17 =	smov.u32 s18  }
0x39: {  	v5 =	vld.idx.msk [tilespmem:v1+s17+$0x10 ss:$0x1], $0xffff;
	[tilespmem:v0+s17+$0x0 ss:$0x1] =	vst.idx.msk $0xffff, v8  }
0x3a: {  	s18 =	sshra.s32 s19, $0x2;
	s19 =	sadd.s32 $0x200, s19;
	[tilespmem:v0+s17+$0xFFFFFF90 ss:$0x1] =	vst.idx.msk $0xffff, v9;
	v7 =	vld.idx.msk [tilespmem:v1+s17+$0x20 ss:$0x1], $0xffff  }
0x3b: {  	_ =	sdelay $0x3  }
0x3c: {  	[tilespmem:v0+s17+$0xFFFFFFA0 ss:$0x1] =	vst.idx.msk $0xffff, v6  }
0x3d: {  	v56 =	vld.idx.msk [tilespmem:v1+s18+$0x30 ss:$0x1], $0xffff;
	[tilespmem:v0+s17+$0xFFFFFFB0 ss:$0x1] =	vst.idx.msk $0xffff, v4  }
0x3e: {  	v57 =	vld.idx.msk [tilespmem:v1+s18+$0xFFFFFFC0 ss:$0x1], $0xffff;
	[tilespmem:v0+s17+$0xFFFFFFC0 ss:$0x1] =	vst.idx.msk $0xffff, v2  }
0x3f: {  	v58 =	vld.idx.msk [tilespmem:v1+s18+$0xFFFFFFD0 ss:$0x1], $0xffff;
	[tilespmem:v0+s17+$0xFFFFFFD0 ss:$0x1] =	vst.idx.msk $0xffff, v3  }
0x40: {  	v59 =	vld.idx.msk [tilespmem:v1+s18+$0xFFFFFFE0 ss:$0x1], $0xffff;
	[tilespmem:v0+s17+$0xFFFFFFE0 ss:$0x1] =	vst.idx.msk $0xffff, v5  }
0x41: {  	v60 =	vld.idx.msk [tilespmem:v1+s18+$0xFFFFFFF0 ss:$0x1], $0xffff;
	[tilespmem:v0+s17+$0xFFFFFFF0 ss:$0x1] =	vst.idx.msk $0xffff, v7  }
0x42: {  	v61 =	vld.idx.msk [tilespmem:v1+s18+$0x0 ss:$0x1], $0xffff;
	[tilespmem:v0+s18+$0x0 ss:$0x1] =	vst.idx.msk $0xffff, v56  }
0x43: {  	v62 =	vld.idx.msk [tilespmem:v1+s18+$0x10 ss:$0x1], $0xffff;
	[tilespmem:v0+s18+$0xFFFFFF90 ss:$0x1] =	vst.idx.msk $0xffff, v57  }
0x44: {  	v63 =	vld.idx.msk [tilespmem:v1+s18+$0x20 ss:$0x1], $0xffff;
	[tilespmem:v0+s18+$0xFFFFFFA0 ss:$0x1] =	vst.idx.msk $0xffff, v58  }
0x45: {  	[tilespmem:v0+s18+$0xFFFFFFB0 ss:$0x1] =	vst.idx.msk $0xffff, v59  }
.Ltmp4:
0x46: {  	s15 =	sshll.u32 s15, $0x12;
	[tilespmem:v0+s18+$0xFFFFFFC0 ss:$0x1] =	vst.idx.msk $0xffff, v60;
	(pc) =	sbr.rel .LBB1_5-.Ltmp4, $4  }
0x47: {  	s13 =	sshll.u32 s13, $0x7;
	s14 =	sshll.u32 s14, $0x4;
	s15 =	sadd.s32 s2, s15;
	[tilespmem:v0+s18+$0xFFFFFFD0 ss:$0x1] =	vst.idx.msk $0xffff, v61  }
0x48: {  	s14 =	sand.u32 $0x70, s14;
	s13 =	sadd.s32 s13, s15;
	[tilespmem:v0+s18+$0xFFFFFFE0 ss:$0x1] =	vst.idx.msk $0xffff, v62  }
0x49: {  	s13 =	sadd.s32 s14, s13;
	[tilespmem:v0+s18+$0xFFFFFFF0 ss:$0x1] =	vst.idx.msk $0xffff, v63  }
0x4a: {  	[hbm4b:s13+s7] =	stream.strided.scatter [tilespmem:s16], [sflag:$0x2], $0x4000, s8, s7, $0x38;
	[tilespmem:$0x10000] =	vst v63  }
.LBB1_6:
0x4b: {  	_ =	sfence.sel $0x180000  }
0x4c: {  	s2 =	simm.s32 $0x1;
	[bflag:$0x0] =	sbarrier.arrive $0xFFFF  }
0x4d: {  	s31 =	simm.s32 $0x2;
	[sflag:s2] =	ssyncpa.u1 $0x1  }
0x4e: {  	[sflag:s31] =	ssyncpa.u1 $0x1  }
0x4f: {  	p0 =	sne.s32 s1, $0x0;
	_ =	strace $0x9000004D  }
0x50: {  	s0 =	sadd.s32 @!p0 $0x100000, s0;
	[bflag:$0x2] =	sbarrier.arrive $0xFFFF  }
0x51: {  	[sflag:s0] =	ssyncadd.tile.s32 @!p0 $0x1;
	_ =	shalt  }
.Lfunc_end1:
_tile_overlayer_lowered:
.L_overlay_start_2:
0x52: {  	(tag) =	ssettag $0x2  }
0x53: {  	s0 =	rddreg [dreg:$0x0];
	s2 =	stileid.u32  }
0x54: {  	s1 =	rddreg [dreg:$0x1];
	p0 =	sne.s32 s2, $0x0  }
0x55: {  	s3 =	rddreg [dreg:$0x2];
	[bflag:$0x3] =	sbarrier.arrive $0xFFFF;
	s2 =	simm.s32 @!p0 $0x1C01  }
0x56: {  	[timem:s3], [sflag:s2] =	dma.local @!p0 [hbm:s0], s1  }
0x57: {  	s0 =	simm.s32 @!p0 $0x1  }
0x58: {  	_ =	swait.ge @!p0 [sflag:s0], s1  }
0x59: {  	s1 =	ssub.s32 @!p0 $0x0, s1;
	[sflag:s0] =	ssyncset.done @!p0 $0x0  }
0x5a: {  	[sflag:s0] =	ssyncadd.s32 @!p0 s1  }
0x5b: {  	[bflag:$0x3] =	sbarrier.arrive $0xFFFF  }
0x5c: {  	_ =	shalt  }

</sc_bundles>
